<compile_context>
chip_gen: v7x
topology: tpu7x:2x2x1
jax: 0.10.2.dev20260603
libtpu: 0.0.44.dev20260713+nightly
codegen_flags: <defaults>
</compile_context>

<pallas_src>
import functools

import jax
import jax.numpy as jnp
from jax import lax
from jax.experimental import pallas as pl
from jax.experimental.pallas import tpu as pltpu
from jax.experimental.pallas import tpu_sc as plsc

T = 2048
D = 1024
HID = 2048
E = 8
K = 2
B = 256
G = (T * K) // B + E
GB = G * B

_F32 = jnp.float32
_I32 = jnp.int32



def _router_body(x_ref, wr_ref, mi_ref, mf_ref, be_ref, aux_ref, xb_ref):
    xf = x_ref[...]
    xb_ref[...] = xf.astype(jnp.bfloat16)
    wr = wr_ref[...]
    logits = lax.dot_general(
        xf, wr, (((1,), (1,)), ((), ())),
        preferred_element_type=_F32)

    m = jnp.max(logits, axis=-1, keepdims=True)
    ex = jnp.exp(logits - m)
    probs = ex / jnp.sum(ex, axis=-1, keepdims=True)

    lane = lax.broadcasted_iota(_I32, (T, E), 1)
    is1 = logits == jnp.max(logits, axis=-1, keepdims=True)
    i1 = jnp.min(jnp.where(is1, lane, E), axis=-1, keepdims=True)
    oh1 = lane == i1
    l2 = jnp.where(oh1, -jnp.inf, logits)
    is2 = l2 == jnp.max(l2, axis=-1, keepdims=True)
    i2 = jnp.min(jnp.where(is2, lane, E), axis=-1, keepdims=True)
    oh2 = lane == i2

    p1 = jnp.sum(jnp.where(oh1, probs, 0.0), axis=-1, keepdims=True)
    p2 = jnp.sum(jnp.where(oh2, probs, 0.0), axis=-1, keepdims=True)
    s = jnp.clip(p1 + p2, 1e-9, None)
    w1 = p1 / s
    w2 = p2 / s

    density = jnp.mean(probs, axis=0, keepdims=True)
    proxy = jnp.mean((probs > (1.0 / E)).astype(_F32), axis=0, keepdims=True)
    aux_ref[...] = jnp.sum(density * proxy, keepdims=True) * float(E * E)

    oh1f = oh1.astype(_F32)
    oh2f = oh2.astype(_F32)
    CH = 256
    rid = lax.broadcasted_iota(_I32, (CH, CH), 0)
    cid = lax.broadcasted_iota(_I32, (CH, CH), 1)
    tril = (rid >= cid).astype(_F32)

    def chunked_cumsum(oh, carry):
        outs = []
        for c in range(T // CH):
            blk = oh[c * CH:(c + 1) * CH, :]
            cs = lax.dot_general(
                tril, blk, (((1,), (0,)), ((), ())),
                preferred_element_type=_F32)
            outs.append(cs + carry)
            carry = carry + cs[CH - 1:CH, :]
        return jnp.concatenate(outs, axis=0), carry

    cs1, c1tot = chunked_cumsum(oh1f, jnp.zeros((1, E), _F32))
    cs2, ctot = chunked_cumsum(oh2f, c1tot)

    c_row = ctot
    cpad_row = jnp.ceil(c_row * (1.0 / B)) * B
    er = lax.broadcasted_iota(_I32, (E, E), 0)
    ec = lax.broadcasted_iota(_I32, (E, E), 1)
    mlt = (er < ec).astype(_F32)
    o_row = lax.dot_general(
        cpad_row, mlt, (((1,), (0,)), ((), ())),
        preferred_element_type=_F32)

    pos0 = jnp.sum(oh1f * (cs1 + o_row), axis=-1, keepdims=True) - 1.0
    pos1 = jnp.sum(oh2f * (cs2 + o_row), axis=-1, keepdims=True) - 1.0

    mi_ref[...] = jnp.concatenate(
        [pos0.astype(_I32), pos1.astype(_I32),
         jnp.zeros((T, 6), _I32)], axis=1)
    mf_ref[...] = jnp.concatenate(
        [w1, w2, jnp.zeros((T, 6), _F32)], axis=1)

    ones_col = jnp.ones((T, 1), _F32)
    c_col = lax.dot_general(
        oh1f + oh2f, ones_col, (((0,), (0,)), ((), ())),
        preferred_element_type=_F32)
    cpad_col = jnp.ceil(c_col * (1.0 / B)) * B
    m2 = (ec < er).astype(_F32)
    o_col = lax.dot_general(
        m2, cpad_col, (((1,), (0,)), ((), ())),
        preferred_element_type=_F32)
    bstart = o_col * (1.0 / B)
    giota = lax.broadcasted_iota(_I32, (E, 32), 1).astype(_F32)
    cmp = (bstart <= giota).astype(_I32)
    base = jnp.sum(cmp, axis=0, keepdims=True) - 1
    nblk = jnp.sum(cpad_row * (1.0 / B), axis=-1, keepdims=True).astype(_I32)
    gsel = lax.broadcasted_iota(_I32, (1, 32), 1)
    be_ref[...] = jnp.where(gsel == G, nblk, base)


def _router_call(flat, wr):
    return pl.pallas_call(
        _router_body,
        out_shape=[
            jax.ShapeDtypeStruct((T, E), _I32),
            jax.ShapeDtypeStruct((T, E), _F32),
            jax.ShapeDtypeStruct((1, 32), _I32),
            jax.ShapeDtypeStruct((1, 1), _F32),
            jax.ShapeDtypeStruct((T, D), jnp.bfloat16),
        ],
    )(flat, wr)



@functools.cache
def _sc_mesh():
    return plsc.VectorSubcoreMesh(core_axis_name="c", subcore_axis_name="s")


def _bin_body(pos_hbm, w_hbm, idx_hbm, ws_hbm, pos_v, w_v, idx_v, ws_v):
    cid = lax.axis_index("c")
    sid = lax.axis_index("s")
    wid = sid * 2 + cid

    @pl.when(wid == 0)
    def _():
        pltpu.sync_copy(pos_hbm, pos_v)
        pltpu.sync_copy(w_hbm, w_v)
        zi = jnp.zeros((16,), _I32)
        zf = jnp.zeros((16,), _F32)

        def zero_step(i, _):
            idx_v[pl.ds(i * 16, 16)] = zi
            ws_v[pl.ds(i * 16, 16)] = zf
            return _

        lax.fori_loop(0, GB // 16, zero_step, 0)
        lane = lax.iota(_I32, 16)

        def scat_step(i, _):
            p = pos_v[pl.ds(i * 16, 16)]
            w = w_v[pl.ds(i * 16, 16)]
            tok = lax.rem(i * 16, T) + lane
            plsc.store_scatter(idx_v, [p], tok)
            plsc.store_scatter(ws_v, [p], w)
            return _

        lax.fori_loop(0, (T * K) // 16, scat_step, 0)
        pltpu.sync_copy(idx_v, idx_hbm)
        pltpu.sync_copy(ws_v, ws_hbm)


def _bin_call(pos01, w01):
    f = functools.partial(
        pl.kernel,
        out_type=[
            jax.ShapeDtypeStruct((GB,), _I32),
            jax.ShapeDtypeStruct((GB,), _F32),
        ],
        mesh=_sc_mesh(),
        compiler_params=pltpu.CompilerParams(needs_layout_passes=False),
        scratch_types=[
            pltpu.VMEM((T * K,), _I32),
            pltpu.VMEM((T * K,), _F32),
            pltpu.VMEM((GB,), _I32),
            pltpu.VMEM((GB,), _F32),
        ],
    )(_bin_body)
    return f(pos01, w01)



def _ffn_body(be_ref, idx_ref, idxw_ref, wsw_ref, x_ref, w1_ref, w3_ref,
              w2_ref, out_ref, xs_ref, yacc_ref, y4_ref):
    g = pl.program_id(0)
    hb = pl.program_id(1)
    nblk = be_ref[G]

    @pl.when(g < nblk)
    def _():
        @pl.when(hb == 0)
        def _():
            ti = lax.broadcasted_iota(_I32, (T, B), 0)
            oh = jnp.where(ti == idx_ref[0], 1.0, 0.0).astype(jnp.bfloat16)
            xs_ref[...] = lax.dot_general(
                oh, x_ref[...], (((0,), (0,)), ((), ())),
                preferred_element_type=_F32)

        xs = xs_ref[...]
        a = lax.dot_general(xs, w1_ref[0], (((1,), (1,)), ((), ())),
                            preferred_element_type=_F32)
        c = lax.dot_general(xs, w3_ref[0], (((1,), (1,)), ((), ())),
                            preferred_element_type=_F32)
        h = (a * lax.logistic(a)) * c
        hbe = lax.rem(hb + g, 2)

        def store_yp(yp):
            @pl.when(hb == 0)
            def _():
                yacc_ref[...] = yp

            @pl.when(hb == 1)
            def _():
                y4_ref[pl.ds((lax.rem(g, 4)) * B, B), :] = (
                    yacc_ref[...] + yp).astype(jnp.bfloat16)

        @pl.when(hbe == 0)
        def _():
            store_yp(lax.dot_general(
                h, w2_ref[0][:, :HID // 2], (((1,), (1,)), ((), ())),
                preferred_element_type=_F32))

        @pl.when(hbe == 1)
        def _():
            store_yp(lax.dot_general(
                h, w2_ref[0][:, HID // 2:], (((1,), (1,)), ((), ())),
                preferred_element_type=_F32))

            @pl.when((lax.rem(g, 4) == 3) | (g == nblk - 1))
            def _():
                ti4 = lax.broadcasted_iota(_I32, (T, 4 * B), 0)
                ohw = jnp.where(ti4 == idxw_ref[0], wsw_ref[0],
                                0.0).astype(jnp.bfloat16)
                contrib = lax.dot_general(
                    ohw, y4_ref[...], (((1,), (0,)), ((), ())),
                    preferred_element_type=_F32)

                @pl.when(g < 4)
                def _():
                    out_ref[...] = contrib

                @pl.when(g >= 4)
                def _():
                    out_ref[...] += contrib


def _ffn_call(be, idx3, idxw, wsw, xb, w1b, w3b, w2b):
    grid_spec = pltpu.PrefetchScalarGridSpec(
        num_scalar_prefetch=1,
        grid=(G, 2),
        in_specs=[
            pl.BlockSpec((1, 1, B), lambda g, hb, be: (g, 0, 0)),
            pl.BlockSpec((1, 1, 4 * B), lambda g, hb, be: (g // 4, 0, 0)),
            pl.BlockSpec((1, 1, 4 * B), lambda g, hb, be: (g // 4, 0, 0)),
            pl.BlockSpec((T, D), lambda g, hb, be: (0, 0)),
            pl.BlockSpec((1, HID // 2, D),
                         lambda g, hb, be: (be[g], hb ^ (g % 2), 0)),
            pl.BlockSpec((1, HID // 2, D),
                         lambda g, hb, be: (be[g], hb ^ (g % 2), 0)),
            pl.BlockSpec((1, D, HID), lambda g, hb, be: (be[g], 0, 0)),
        ],
        out_specs=pl.BlockSpec((T, D), lambda g, hb, be: (0, 0)),
        scratch_shapes=[
            pltpu.VMEM((B, D), _F32),
            pltpu.VMEM((B, D), _F32),
            pltpu.VMEM((4 * B, D), jnp.bfloat16),
        ],
    )
    return pl.pallas_call(
        _ffn_body,
        grid_spec=grid_spec,
        compiler_params=pltpu.CompilerParams(
            vmem_limit_bytes=62 * 1024 * 1024),
        out_shape=jax.ShapeDtypeStruct((T, D), _F32),
    )(be, idx3, idxw, wsw, xb, w1b, w3b, w2b)



def kernel(x, Wr, W1, W2, W3):
    shape = x.shape
    flat = x.reshape(T, D)

    mi, mf, be, aux, xb = _router_call(flat, Wr)
    pos01 = jnp.concatenate([mi[:, 0], mi[:, 1]], axis=0)
    w01 = jnp.concatenate([mf[:, 0], mf[:, 1]], axis=0)

    idx, ws = _bin_call(pos01, w01)

    out = _ffn_call(
        be[0, :G + 1],
        idx.reshape(G, 1, B),
        idx.reshape(G // 4, 1, 4 * B),
        ws.reshape(G // 4, 1, 4 * B),
        xb,
        W1,
        W3,
        W2,
    )
    return out.reshape(shape), aux.reshape(())

# --- scband reference (transcript-rebuilt; emitter-appended) ---
"""Pipeline reference for scband-mo-efeed-forward-47854525612251 (READ-ONLY COPY).

The authoritative reference and input builder live on the scoring server;
editing this copy changes nothing except your own understanding.
"""

import jax, jax.numpy as jnp
import numpy as np

TOP_K = 2

def setup_inputs(seed: int = 0) -> dict:
    key = jax.random.key(seed)
    ks = jax.random.split(key, 5)
    dim, hidden, E = 1024, 2048, 8
    x = jax.random.normal(ks[0], (1, 2048, dim), dtype=jnp.float32)
    Wr = jax.random.normal(ks[1], (E, dim), dtype=jnp.float32) * (dim ** -0.5)
    W1 = jax.random.normal(ks[2], (E, hidden, dim), dtype=jnp.float32) * (dim ** -0.5)
    W2 = jax.random.normal(ks[3], (E, dim, hidden), dtype=jnp.float32) * (hidden ** -0.5)
    W3 = jax.random.normal(ks[4], (E, hidden, dim), dtype=jnp.float32) * (dim ** -0.5)
    return {"x": x, "Wr": Wr, "W1": W1, "W2": W2, "W3": W3}

def _moe_forward(x, Wr, W1, W2, W3):
    E = Wr.shape[0]
    shape = x.shape
    flat = x.reshape(-1, shape[-1])
    router_logits = flat @ Wr.T
    router_probs = jax.nn.softmax(router_logits.astype(jnp.float32), axis=-1).astype(x.dtype)
    weights, indices = jax.lax.top_k(router_probs, TOP_K)
    weights = weights / jnp.clip(jnp.sum(weights, axis=-1, keepdims=True), 1e-9, None)
    # per-token, per-expert combined routing weight (zero where token not routed
    # to that expert) -- math-equivalent to the torch per-expert scatter loop
    onehot = jax.nn.one_hot(indices, E, dtype=x.dtype)  # [T, k, E]
    tok_w = jnp.einsum('tk,tke->te', weights, onehot)   # [T, E]
    # swiglu expert FFN applied per expert (dropout=0.0 is identity)
    h = jax.nn.silu(jnp.einsum('td,ehd->teh', flat, W1)) * jnp.einsum('td,ehd->teh', flat, W3)
    expert_out = jnp.einsum('teh,edh->ted', h, W2)      # [T, E, d]
    out = jnp.einsum('ted,te->td', expert_out, tok_w)   # weighted scatter-add combine
    density = jnp.mean(router_probs.astype(jnp.float32), axis=0)
    density_proxy = jnp.mean((router_probs > 1.0 / E).astype(jnp.float32), axis=0)
    aux_loss = jnp.sum(density * density_proxy) * (E ** 2)
    return out.reshape(shape), aux_loss

def reference(x, Wr, W1, W2, W3):
    return _moe_forward(x, Wr, W1, W2, W3)

if __name__ == "__main__":
    import jax
    _d = setup_inputs()
    print(jax.jit(kernel)(*tuple(_d.values())))

</pallas_src>

<mosaic_0001>
#map = affine_map<(d0, d1) -> (0)>
module attributes {stable_mosaic.version = 14 : i64} {
  func.func @_bin_body(%arg0: i32, %arg1: i32, %arg2: memref<4096xi32, #tpu.memory_space<hbm>>, %arg3: memref<4096xf32, #tpu.memory_space<hbm>>, %arg4: memref<6144xi32, #tpu.memory_space<hbm>>, %arg5: memref<6144xf32, #tpu.memory_space<hbm>>, %arg6: memref<4096xi32, #tpu.memory_space<vmem>>, %arg7: memref<4096xf32, #tpu.memory_space<vmem>>, %arg8: memref<6144xi32, #tpu.memory_space<vmem>>, %arg9: memref<6144xf32, #tpu.memory_space<vmem>>) attributes {dimension_semantics = [#tpu.dimension_semantics<core_parallel>, #tpu.dimension_semantics<subcore_parallel>], iteration_bounds = array<i64: 2, 16>, scalar_prefetch = 0 : i64, scratch_operands = 4 : i64, tpu.core_type = #tpu.core_type<sc_vector_subcore>, window_params = [{transform_indices = #map}, {transform_indices = #map}, {transform_indices = #map}, {transform_indices = #map}]} {
    %mul3A = arith.constant 2 : i32
    %mul3A_0 = arith.muli %arg1, %mul3A : i32
    %add3A = arith.addi %mul3A_0, %arg0 : i32
    %eq3A = arith.constant 0 : i32
    %eq3A_1 = arith.cmpi eq, %add3A, %eq3A : i32
    %convert_element_type3A = arith.extui %eq3A_1 : i1 to i32
    %cond3A = arith.constant 0 : i32
    %cond3A_2 = arith.cmpi ne, %convert_element_type3A, %cond3A : i32
    scf.if %cond3A_2 {
      "tpu.region"() ({
        %run_scoped3A = tpu.sem_alloc : memref<!tpu.dma_semaphore, #tpu.memory_space<semaphore_mem>>
        tpu.enqueue_dma source(%arg2 : memref<4096xi32, #tpu.memory_space<hbm>>) target(%arg6 : memref<4096xi32, #tpu.memory_space<vmem>>) target_semaphore(%run_scoped3A : memref<!tpu.dma_semaphore, #tpu.memory_space<semaphore_mem>>)
        tpu.wait_dma2 semaphore(%run_scoped3A : memref<!tpu.dma_semaphore, #tpu.memory_space<semaphore_mem>>) src(%arg2 : memref<4096xi32, #tpu.memory_space<hbm>>) dst(%arg6 : memref<4096xi32, #tpu.memory_space<vmem>>)
        tpu.yield
      }) : () -> ()
      "tpu.region"() ({
        %run_scoped3A = tpu.sem_alloc : memref<!tpu.dma_semaphore, #tpu.memory_space<semaphore_mem>>
        tpu.enqueue_dma source(%arg3 : memref<4096xf32, #tpu.memory_space<hbm>>) target(%arg7 : memref<4096xf32, #tpu.memory_space<vmem>>) target_semaphore(%run_scoped3A : memref<!tpu.dma_semaphore, #tpu.memory_space<semaphore_mem>>)
        tpu.wait_dma2 semaphore(%run_scoped3A : memref<!tpu.dma_semaphore, #tpu.memory_space<semaphore_mem>>) src(%arg3 : memref<4096xf32, #tpu.memory_space<hbm>>) dst(%arg7 : memref<4096xf32, #tpu.memory_space<vmem>>)
        tpu.yield
      }) : () -> ()
      %broadcast_in_dim3A = arith.constant 0 : i32
      %broadcast_in_dim3A_3 = vector.broadcast %broadcast_in_dim3A : i32 to vector<16xi32>
      %broadcast_in_dim3A_4 = arith.constant 0.000000e+00 : f32
      %broadcast_in_dim3A_5 = vector.broadcast %broadcast_in_dim3A_4 : f32 to vector<16xf32>
      %scan3A = arith.constant 0 : i32
      %scan3A_6 = arith.constant 0 : i32
      %scan3A_7 = arith.constant 384 : i32
      %scan3A_8 = arith.addi %scan3A_6, %scan3A_7 : i32
      %scan3A_9 = arith.constant 1 : i32
      scf.for %scan3A_17 = %scan3A_6 to %scan3A_8 step %scan3A_9  : i32 {
        %mul3A_18 = arith.constant 16 : i32
        %mul3A_19 = arith.muli %scan3A_17, %mul3A_18 : i32
        %swap3A = arith.index_cast %mul3A_19 : i32 to index
        %swap3A_20 = tpu.vector_load %arg8[%swap3A] {strides = array<i32>} : memref<6144xi32, #tpu.memory_space<vmem>>, vector<16xi32>,
        tpu.vector_store %arg8[%swap3A], %broadcast_in_dim3A_3 {strides = array<i32>} : memref<6144xi32, #tpu.memory_space<vmem>>, vector<16xi32>,
        %mul3A_21 = arith.constant 16 : i32
        %mul3A_22 = arith.muli %scan3A_17, %mul3A_21 : i32
        %swap3A_23 = arith.index_cast %mul3A_22 : i32 to index
        %swap3A_24 = tpu.vector_load %arg9[%swap3A_23] {strides = array<i32>} : memref<6144xf32, #tpu.memory_space<vmem>>, vector<16xf32>,
        tpu.vector_store %arg9[%swap3A_23], %broadcast_in_dim3A_5 {strides = array<i32>} : memref<6144xf32, #tpu.memory_space<vmem>>, vector<16xf32>,
      }
      %scan3A_10 = arith.constant 384 : i32
      %iota3A = tpu.iota {dimensions = array<i32: 0>} : vector<16xi32>
      %scan3A_11 = arith.constant 0 : i32
      %scan3A_12 = arith.constant 0 : i32
      %scan3A_13 = arith.constant 256 : i32
      %scan3A_14 = arith.addi %scan3A_12, %scan3A_13 : i32
      %scan3A_15 = arith.constant 1 : i32
      scf.for %scan3A_17 = %scan3A_12 to %scan3A_14 step %scan3A_15  : i32 {
        %mul3A_18 = arith.constant 16 : i32
        %mul3A_19 = arith.muli %scan3A_17, %mul3A_18 : i32
        %get3A = arith.index_cast %mul3A_19 : i32 to index
        %get3A_20 = tpu.vector_load %arg6[%get3A] {strides = array<i32>} : memref<4096xi32, #tpu.memory_space<vmem>>, vector<16xi32>,
        %mul3A_21 = arith.constant 16 : i32
        %mul3A_22 = arith.muli %scan3A_17, %mul3A_21 : i32
        %get3A_23 = arith.index_cast %mul3A_22 : i32 to index
        %get3A_24 = tpu.vector_load %arg7[%get3A_23] {strides = array<i32>} : memref<4096xf32, #tpu.memory_space<vmem>>, vector<16xf32>,
        %mul3A_25 = arith.constant 16 : i32
        %mul3A_26 = arith.muli %scan3A_17, %mul3A_25 : i32
        %rem3A = arith.constant 2048 : i32
        %rem3A_27 = arith.remsi %mul3A_26, %rem3A : i32
        %add3A_28 = vector.broadcast %rem3A_27 : i32 to vector<16xi32>
        %add3A_29 = arith.addi %add3A_28, %iota3A : vector<16xi32>
        tpu.vector_store_idx %arg8[%get3A_20], %add3A_29 : memref<6144xi32, #tpu.memory_space<vmem>>[vector<16xi32>], vector<16xi32>,
        tpu.vector_store_idx %arg9[%get3A_20], %get3A_24 : memref<6144xf32, #tpu.memory_space<vmem>>[vector<16xi32>], vector<16xf32>,
      }
      %scan3A_16 = arith.constant 256 : i32
      "tpu.region"() ({
        %run_scoped3A = tpu.sem_alloc : memref<!tpu.dma_semaphore, #tpu.memory_space<semaphore_mem>>
        tpu.enqueue_dma source(%arg8 : memref<6144xi32, #tpu.memory_space<vmem>>) target(%arg4 : memref<6144xi32, #tpu.memory_space<hbm>>) target_semaphore(%run_scoped3A : memref<!tpu.dma_semaphore, #tpu.memory_space<semaphore_mem>>)
        tpu.wait_dma2 semaphore(%run_scoped3A : memref<!tpu.dma_semaphore, #tpu.memory_space<semaphore_mem>>) src(%arg8 : memref<6144xi32, #tpu.memory_space<vmem>>) dst(%arg4 : memref<6144xi32, #tpu.memory_space<hbm>>)
        tpu.yield
      }) : () -> ()
      "tpu.region"() ({
        %run_scoped3A = tpu.sem_alloc : memref<!tpu.dma_semaphore, #tpu.memory_space<semaphore_mem>>
        tpu.enqueue_dma source(%arg9 : memref<6144xf32, #tpu.memory_space<vmem>>) target(%arg5 : memref<6144xf32, #tpu.memory_space<hbm>>) target_semaphore(%run_scoped3A : memref<!tpu.dma_semaphore, #tpu.memory_space<semaphore_mem>>)
        tpu.wait_dma2 semaphore(%run_scoped3A : memref<!tpu.dma_semaphore, #tpu.memory_space<semaphore_mem>>) src(%arg9 : memref<6144xf32, #tpu.memory_space<vmem>>) dst(%arg5 : memref<6144xf32, #tpu.memory_space<hbm>>)
        tpu.yield
      }) : () -> ()
    } else {
    }
    return
  }
}

module attributes {stable_mosaic.version = 14 : i64} {
  func.func @_router_body(%arg0: memref<2048x1024xf32, #tpu.memory_space<vmem>>, %arg1: memref<8x1024xf32, #tpu.memory_space<vmem>>, %arg2: memref<2048x8xi32, #tpu.memory_space<vmem>>, %arg3: memref<2048x8xf32, #tpu.memory_space<vmem>>, %arg4: memref<1x32xi32, #tpu.memory_space<vmem>>, %arg5: memref<1x1xf32, #tpu.memory_space<vmem>>, %arg6: memref<2048x1024xbf16, #tpu.memory_space<vmem>>) attributes {dimension_semantics = [], scalar_prefetch = 0 : i64, scratch_operands = 0 : i64, tpu.core_type = #tpu.core_type<tc>} {
    %get3A = arith.constant 0 : index
    %get3A_0 = arith.constant 0 : index
    %get3A_1 = vector.load %arg0[%get3A, %get3A_0] : memref<2048x1024xf32, #tpu.memory_space<vmem>>, vector<2048x1024xf32>
    %convert_element_type3A = arith.truncf %get3A_1 : vector<2048x1024xf32> to vector<2048x1024xbf16>
    %swap3A = arith.constant 0 : index
    %swap3A_2 = arith.constant 0 : index
    %swap3A_3 = vector.load %arg6[%swap3A, %swap3A_2] : memref<2048x1024xbf16, #tpu.memory_space<vmem>>, vector<2048x1024xbf16>
    tpu.vector_store %arg6[%swap3A, %swap3A_2], %convert_element_type3A {strides = array<i32>} : memref<2048x1024xbf16, #tpu.memory_space<vmem>>, vector<2048x1024xbf16>,
    %get3A_4 = arith.constant 0 : index
    %get3A_5 = arith.constant 0 : index
    %get3A_6 = vector.load %arg1[%get3A_4, %get3A_5] : memref<8x1024xf32, #tpu.memory_space<vmem>>, vector<8x1024xf32>
    %dot_general3A = arith.constant dense<0.000000e+00> : vector<2048x8xf32>
    %dot_general3A_7 = tpu.matmul %get3A_1, %get3A_6, %dot_general3A {dimension_numbers = #tpu.dot_dimension_numbers<[1], [1], [0], [0], [0, 0, 1, 0], [], []>, transpose_lhs_hint = false} : vector<2048x1024xf32>, vector<8x1024xf32>, vector<2048x8xf32> -> vector<2048x8xf32>
    %reduce_max3A = arith.constant dense<0xFF800000> : vector<2048xf32>
    %reduce_max3A_8 = vector.multi_reduction <maximumf>, %dot_general3A_7, %reduce_max3A [1] : vector<2048x8xf32> to vector<2048xf32>
    %broadcast_in_dim3A = vector.shape_cast %reduce_max3A_8 : vector<2048xf32> to vector<2048x1xf32>
    %sub3A = vector.broadcast %broadcast_in_dim3A : vector<2048x1xf32> to vector<2048x8xf32>
    %sub3A_9 = arith.subf %dot_general3A_7, %sub3A : vector<2048x8xf32>
    %exp3A = math.exp %sub3A_9 : vector<2048x8xf32>
    %reduce_sum3A = arith.constant dense<0.000000e+00> : vector<2048xf32>
    %reduce_sum3A_10 = vector.multi_reduction <add>, %exp3A, %reduce_sum3A [1] : vector<2048x8xf32> to vector<2048xf32>
    %broadcast_in_dim3A_11 = vector.shape_cast %reduce_sum3A_10 : vector<2048xf32> to vector<2048x1xf32>
    %div3A = vector.broadcast %broadcast_in_dim3A_11 : vector<2048x1xf32> to vector<2048x8xf32>
    %div3A_12 = arith.divf %exp3A, %div3A : vector<2048x8xf32>
    %iota3A = tpu.iota {dimensions = array<i32: 1>} : vector<2048x8xi32>
    %reduce_max3A_13 = arith.constant dense<0xFF800000> : vector<2048xf32>
    %reduce_max3A_14 = vector.multi_reduction <maximumf>, %dot_general3A_7, %reduce_max3A_13 [1] : vector<2048x8xf32> to vector<2048xf32>
    %broadcast_in_dim3A_15 = vector.shape_cast %reduce_max3A_14 : vector<2048xf32> to vector<2048x1xf32>
    %eq3A = vector.broadcast %broadcast_in_dim3A_15 : vector<2048x1xf32> to vector<2048x8xf32>
    %eq3A_16 = arith.cmpf oeq, %dot_general3A_7, %eq3A : vector<2048x8xf32>
    %jit3A = arith.constant 8 : i32
    %broadcast_in_dim3A_17 = vector.broadcast %jit3A : i32 to vector<2048x8xi32>
    %select_n3A = arith.select %eq3A_16, %iota3A, %broadcast_in_dim3A_17 : vector<2048x8xi1>, vector<2048x8xi32>
    %reduce_min3A = arith.constant dense<2147483647> : vector<2048xi32>
    %reduce_min3A_18 = vector.multi_reduction <minsi>, %select_n3A, %reduce_min3A [1] : vector<2048x8xi32> to vector<2048xi32>
    %broadcast_in_dim3A_19 = vector.shape_cast %reduce_min3A_18 : vector<2048xi32> to vector<2048x1xi32>
    %eq3A_20 = vector.broadcast %broadcast_in_dim3A_19 : vector<2048x1xi32> to vector<2048x8xi32>
    %eq3A_21 = arith.cmpi eq, %iota3A, %eq3A_20 : vector<2048x8xi32>
    %jit3A_22 = arith.constant 0xFF800000 : f32
    %broadcast_in_dim3A_23 = vector.broadcast %jit3A_22 : f32 to vector<2048x8xf32>
    %select_n3A_24 = arith.select %eq3A_21, %broadcast_in_dim3A_23, %dot_general3A_7 : vector<2048x8xi1>, vector<2048x8xf32>
    %reduce_max3A_25 = arith.constant dense<0xFF800000> : vector<2048xf32>
    %reduce_max3A_26 = vector.multi_reduction <maximumf>, %select_n3A_24, %reduce_max3A_25 [1] : vector<2048x8xf32> to vector<2048xf32>
    %broadcast_in_dim3A_27 = vector.shape_cast %reduce_max3A_26 : vector<2048xf32> to vector<2048x1xf32>
    %eq3A_28 = vector.broadcast %broadcast_in_dim3A_27 : vector<2048x1xf32> to vector<2048x8xf32>
    %eq3A_29 = arith.cmpf oeq, %select_n3A_24, %eq3A_28 : vector<2048x8xf32>
    %jit3A_30 = arith.constant 8 : i32
    %broadcast_in_dim3A_31 = vector.broadcast %jit3A_30 : i32 to vector<2048x8xi32>
    %select_n3A_32 = arith.select %eq3A_29, %iota3A, %broadcast_in_dim3A_31 : vector<2048x8xi1>, vector<2048x8xi32>
    %reduce_min3A_33 = arith.constant dense<2147483647> : vector<2048xi32>
    %reduce_min3A_34 = vector.multi_reduction <minsi>, %select_n3A_32, %reduce_min3A_33 [1] : vector<2048x8xi32> to vector<2048xi32>
    %broadcast_in_dim3A_35 = vector.shape_cast %reduce_min3A_34 : vector<2048xi32> to vector<2048x1xi32>
    %eq3A_36 = vector.broadcast %broadcast_in_dim3A_35 : vector<2048x1xi32> to vector<2048x8xi32>
    %eq3A_37 = arith.cmpi eq, %iota3A, %eq3A_36 : vector<2048x8xi32>
    %jit3A_38 = arith.constant 0.000000e+00 : f32
    %broadcast_in_dim3A_39 = vector.broadcast %jit3A_38 : f32 to vector<2048x8xf32>
    %select_n3A_40 = arith.select %eq3A_21, %div3A_12, %broadcast_in_dim3A_39 : vector<2048x8xi1>, vector<2048x8xf32>
    %reduce_sum3A_41 = arith.constant dense<0.000000e+00> : vector<2048xf32>
    %reduce_sum3A_42 = vector.multi_reduction <add>, %select_n3A_40, %reduce_sum3A_41 [1] : vector<2048x8xf32> to vector<2048xf32>
    %broadcast_in_dim3A_43 = vector.shape_cast %reduce_sum3A_42 : vector<2048xf32> to vector<2048x1xf32>
    %jit3A_44 = arith.constant 0.000000e+00 : f32
    %broadcast_in_dim3A_45 = vector.broadcast %jit3A_44 : f32 to vector<2048x8xf32>
    %select_n3A_46 = arith.select %eq3A_37, %div3A_12, %broadcast_in_dim3A_45 : vector<2048x8xi1>, vector<2048x8xf32>
    %reduce_sum3A_47 = arith.constant dense<0.000000e+00> : vector<2048xf32>
    %reduce_sum3A_48 = vector.multi_reduction <add>, %select_n3A_46, %reduce_sum3A_47 [1] : vector<2048x8xf32> to vector<2048xf32>
    %broadcast_in_dim3A_49 = vector.shape_cast %reduce_sum3A_48 : vector<2048xf32> to vector<2048x1xf32>
    %add3A = arith.addf %broadcast_in_dim3A_43, %broadcast_in_dim3A_49 : vector<2048x1xf32>
    %jit3A_50 = arith.constant 9.99999971E-10 : f32
    %max3A = vector.broadcast %jit3A_50 : f32 to vector<2048x1xf32>
    %max3A_51 = arith.maximumf %max3A, %add3A : vector<2048x1xf32>
    %div3A_52 = arith.divf %broadcast_in_dim3A_43, %max3A_51 : vector<2048x1xf32>
    %div3A_53 = arith.divf %broadcast_in_dim3A_49, %max3A_51 : vector<2048x1xf32>
    %reduce_sum3A_54 = arith.constant dense<0.000000e+00> : vector<8xf32>
    %reduce_sum3A_55 = vector.multi_reduction <add>, %div3A_12, %reduce_sum3A_54 [0] : vector<2048x8xf32> to vector<8xf32>
    %broadcast_in_dim3A_56 = vector.shape_cast %reduce_sum3A_55 : vector<8xf32> to vector<1x8xf32>
    %div3A_57 = arith.constant 2.048000e+03 : f32
    %div3A_58 = vector.broadcast %div3A_57 : f32 to vector<1x8xf32>
    %div3A_59 = arith.divf %broadcast_in_dim3A_56, %div3A_58 : vector<1x8xf32>
    %gt3A = arith.constant 1.250000e-01 : f32
    %gt3A_60 = vector.broadcast %gt3A : f32 to vector<2048x8xf32>
    %gt3A_61 = arith.cmpf ogt, %div3A_12, %gt3A_60 : vector<2048x8xf32>
    %convert_element_type3A_62 = arith.extui %gt3A_61 : vector<2048x8xi1> to vector<2048x8xi32>
    %convert_element_type3A_63 = arith.sitofp %convert_element_type3A_62 : vector<2048x8xi32> to vector<2048x8xf32>
    %reduce_sum3A_64 = arith.constant dense<0.000000e+00> : vector<8xf32>
    %reduce_sum3A_65 = vector.multi_reduction <add>, %convert_element_type3A_63, %reduce_sum3A_64 [0] : vector<2048x8xf32> to vector<8xf32>
    %broadcast_in_dim3A_66 = vector.shape_cast %reduce_sum3A_65 : vector<8xf32> to vector<1x8xf32>
    %div3A_67 = arith.constant 2.048000e+03 : f32
    %div3A_68 = vector.broadcast %div3A_67 : f32 to vector<1x8xf32>
    %div3A_69 = arith.divf %broadcast_in_dim3A_66, %div3A_68 : vector<1x8xf32>
    %mul3A = arith.mulf %div3A_59, %div3A_69 : vector<1x8xf32>
    %reduce_sum3A_70 = vector.shape_cast %mul3A : vector<1x8xf32> to vector<1x1x8xf32>
    %reduce_sum3A_71 = arith.constant dense<0.000000e+00> : vector<1xf32>
    %reduce_sum3A_72 = vector.multi_reduction <add>, %reduce_sum3A_70, %reduce_sum3A_71 [1, 2] : vector<1x1x8xf32> to vector<1xf32>
    %reduce_sum3A_73 = vector.shape_cast %reduce_sum3A_72 : vector<1xf32> to vector<1x1x1xf32>
    %reduce_sum3A_74 = vector.extract %reduce_sum3A_73[0, 0, 0] : f32 from vector<1x1x1xf32>
    %broadcast_in_dim3A_75 = vector.broadcast %reduce_sum3A_74 : f32 to vector<1x1xf32>
    %mul3A_76 = arith.constant 6.400000e+01 : f32
    %mul3A_77 = vector.broadcast %mul3A_76 : f32 to vector<1x1xf32>
    %mul3A_78 = arith.mulf %broadcast_in_dim3A_75, %mul3A_77 : vector<1x1xf32>
    %swap3A_79 = arith.constant 0 : index
    %swap3A_80 = arith.constant 0 : index
    %swap3A_81 = vector.load %arg5[%swap3A_79, %swap3A_80] : memref<1x1xf32, #tpu.memory_space<vmem>>, vector<1x1xf32>
    tpu.vector_store %arg5[%swap3A_79, %swap3A_80], %mul3A_78 {strides = array<i32>} : memref<1x1xf32, #tpu.memory_space<vmem>>, vector<1x1xf32>,
    %convert_element_type3A_82 = arith.extui %eq3A_21 : vector<2048x8xi1> to vector<2048x8xi32>
    %convert_element_type3A_83 = arith.sitofp %convert_element_type3A_82 : vector<2048x8xi32> to vector<2048x8xf32>
    %convert_element_type3A_84 = arith.extui %eq3A_37 : vector<2048x8xi1> to vector<2048x8xi32>
    %convert_element_type3A_85 = arith.sitofp %convert_element_type3A_84 : vector<2048x8xi32> to vector<2048x8xf32>
    %iota3A_86 = tpu.iota {dimensions = array<i32: 0>} : vector<256x256xi32>
    %iota3A_87 = tpu.iota {dimensions = array<i32: 1>} : vector<256x256xi32>
    %ge3A = arith.cmpi sge, %iota3A_86, %iota3A_87 : vector<256x256xi32>
    %convert_element_type3A_88 = arith.extui %ge3A : vector<256x256xi1> to vector<256x256xi32>
    %convert_element_type3A_89 = arith.sitofp %convert_element_type3A_88 : vector<256x256xi32> to vector<256x256xf32>
    %broadcast_in_dim3A_90 = arith.constant 0.000000e+00 : f32
    %broadcast_in_dim3A_91 = vector.broadcast %broadcast_in_dim3A_90 : f32 to vector<1x8xf32>
    %slice3A = vector.extract_strided_slice %convert_element_type3A_83 {offsets = [0, 0], sizes = [256, 8], strides = [1, 1]} : vector<2048x8xf32> to vector<256x8xf32>
    %dot_general3A_92 = arith.constant dense<0.000000e+00> : vector<256x8xf32>
    %dot_general3A_93 = tpu.matmul %convert_element_type3A_89, %slice3A, %dot_general3A_92 {dimension_numbers = #tpu.dot_dimension_numbers<[1], [0], [0], [1], [0, 0, 1, 1], [], []>, transpose_lhs_hint = false} : vector<256x256xf32>, vector<256x8xf32>, vector<256x8xf32> -> vector<256x8xf32>
    %add3A_94 = vector.broadcast %broadcast_in_dim3A_91 : vector<1x8xf32> to vector<256x8xf32>
    %add3A_95 = arith.addf %dot_general3A_93, %add3A_94 : vector<256x8xf32>
    %slice3A_96 = vector.extract_strided_slice %dot_general3A_93 {offsets = [255, 0], sizes = [1, 8], strides = [1, 1]} : vector<256x8xf32> to vector<1x8xf32>
    %add3A_97 = arith.addf %broadcast_in_dim3A_91, %slice3A_96 : vector<1x8xf32>
    %slice3A_98 = vector.extract_strided_slice %convert_element_type3A_83 {offsets = [256, 0], sizes = [256, 8], strides = [1, 1]} : vector<2048x8xf32> to vector<256x8xf32>
    %dot_general3A_99 = arith.constant dense<0.000000e+00> : vector<256x8xf32>
    %dot_general3A_100 = tpu.matmul %convert_element_type3A_89, %slice3A_98, %dot_general3A_99 {dimension_numbers = #tpu.dot_dimension_numbers<[1], [0], [0], [1], [0, 0, 1, 1], [], []>, transpose_lhs_hint = false} : vector<256x256xf32>, vector<256x8xf32>, vector<256x8xf32> -> vector<256x8xf32>
    %add3A_101 = vector.broadcast %add3A_97 : vector<1x8xf32> to vector<256x8xf32>
    %add3A_102 = arith.addf %dot_general3A_100, %add3A_101 : vector<256x8xf32>
    %slice3A_103 = vector.extract_strided_slice %dot_general3A_100 {offsets = [255, 0], sizes = [1, 8], strides = [1, 1]} : vector<256x8xf32> to vector<1x8xf32>
    %add3A_104 = arith.addf %add3A_97, %slice3A_103 : vector<1x8xf32>
    %slice3A_105 = vector.extract_strided_slice %convert_element_type3A_83 {offsets = [512, 0], sizes = [256, 8], strides = [1, 1]} : vector<2048x8xf32> to vector<256x8xf32>
    %dot_general3A_106 = arith.constant dense<0.000000e+00> : vector<256x8xf32>
    %dot_general3A_107 = tpu.matmul %convert_element_type3A_89, %slice3A_105, %dot_general3A_106 {dimension_numbers = #tpu.dot_dimension_numbers<[1], [0], [0], [1], [0, 0, 1, 1], [], []>, transpose_lhs_hint = false} : vector<256x256xf32>, vector<256x8xf32>, vector<256x8xf32> -> vector<256x8xf32>
    %add3A_108 = vector.broadcast %add3A_104 : vector<1x8xf32> to vector<256x8xf32>
    %add3A_109 = arith.addf %dot_general3A_107, %add3A_108 : vector<256x8xf32>
    %slice3A_110 = vector.extract_strided_slice %dot_general3A_107 {offsets = [255, 0], sizes = [1, 8], strides = [1, 1]} : vector<256x8xf32> to vector<1x8xf32>
    %add3A_111 = arith.addf %add3A_104, %slice3A_110 : vector<1x8xf32>
    %slice3A_112 = vector.extract_strided_slice %convert_element_type3A_83 {offsets = [768, 0], sizes = [256, 8], strides = [1, 1]} : vector<2048x8xf32> to vector<256x8xf32>
    %dot_general3A_113 = arith.constant dense<0.000000e+00> : vector<256x8xf32>
    %dot_general3A_114 = tpu.matmul %convert_element_type3A_89, %slice3A_112, %dot_general3A_113 {dimension_numbers = #tpu.dot_dimension_numbers<[1], [0], [0], [1], [0, 0, 1, 1], [], []>, transpose_lhs_hint = false} : vector<256x256xf32>, vector<256x8xf32>, vector<256x8xf32> -> vector<256x8xf32>
    %add3A_115 = vector.broadcast %add3A_111 : vector<1x8xf32> to vector<256x8xf32>
    %add3A_116 = arith.addf %dot_general3A_114, %add3A_115 : vector<256x8xf32>
    %slice3A_117 = vector.extract_strided_slice %dot_general3A_114 {offsets = [255, 0], sizes = [1, 8], strides = [1, 1]} : vector<256x8xf32> to vector<1x8xf32>
    %add3A_118 = arith.addf %add3A_111, %slice3A_117 : vector<1x8xf32>
    %slice3A_119 = vector.extract_strided_slice %convert_element_type3A_83 {offsets = [1024, 0], sizes = [256, 8], strides = [1, 1]} : vector<2048x8xf32> to vector<256x8xf32>
    %dot_general3A_120 = arith.constant dense<0.000000e+00> : vector<256x8xf32>
    %dot_general3A_121 = tpu.matmul %convert_element_type3A_89, %slice3A_119, %dot_general3A_120 {dimension_numbers = #tpu.dot_dimension_numbers<[1], [0], [0], [1], [0, 0, 1, 1], [], []>, transpose_lhs_hint = false} : vector<256x256xf32>, vector<256x8xf32>, vector<256x8xf32> -> vector<256x8xf32>
    %add3A_122 = vector.broadcast %add3A_118 : vector<1x8xf32> to vector<256x8xf32>
    %add3A_123 = arith.addf %dot_general3A_121, %add3A_122 : vector<256x8xf32>
    %slice3A_124 = vector.extract_strided_slice %dot_general3A_121 {offsets = [255, 0], sizes = [1, 8], strides = [1, 1]} : vector<256x8xf32> to vector<1x8xf32>
    %add3A_125 = arith.addf %add3A_118, %slice3A_124 : vector<1x8xf32>
    %slice3A_126 = vector.extract_strided_slice %convert_element_type3A_83 {offsets = [1280, 0], sizes = [256, 8], strides = [1, 1]} : vector<2048x8xf32> to vector<256x8xf32>
    %dot_general3A_127 = arith.constant dense<0.000000e+00> : vector<256x8xf32>
    %dot_general3A_128 = tpu.matmul %convert_element_type3A_89, %slice3A_126, %dot_general3A_127 {dimension_numbers = #tpu.dot_dimension_numbers<[1], [0], [0], [1], [0, 0, 1, 1], [], []>, transpose_lhs_hint = false} : vector<256x256xf32>, vector<256x8xf32>, vector<256x8xf32> -> vector<256x8xf32>
    %add3A_129 = vector.broadcast %add3A_125 : vector<1x8xf32> to vector<256x8xf32>
    %add3A_130 = arith.addf %dot_general3A_128, %add3A_129 : vector<256x8xf32>
    %slice3A_131 = vector.extract_strided_slice %dot_general3A_128 {offsets = [255, 0], sizes = [1, 8], strides = [1, 1]} : vector<256x8xf32> to vector<1x8xf32>
    %add3A_132 = arith.addf %add3A_125, %slice3A_131 : vector<1x8xf32>
    %slice3A_133 = vector.extract_strided_slice %convert_element_type3A_83 {offsets = [1536, 0], sizes = [256, 8], strides = [1, 1]} : vector<2048x8xf32> to vector<256x8xf32>
    %dot_general3A_134 = arith.constant dense<0.000000e+00> : vector<256x8xf32>
    %dot_general3A_135 = tpu.matmul %convert_element_type3A_89, %slice3A_133, %dot_general3A_134 {dimension_numbers = #tpu.dot_dimension_numbers<[1], [0], [0], [1], [0, 0, 1, 1], [], []>, transpose_lhs_hint = false} : vector<256x256xf32>, vector<256x8xf32>, vector<256x8xf32> -> vector<256x8xf32>
    %add3A_136 = vector.broadcast %add3A_132 : vector<1x8xf32> to vector<256x8xf32>
    %add3A_137 = arith.addf %dot_general3A_135, %add3A_136 : vector<256x8xf32>
    %slice3A_138 = vector.extract_strided_slice %dot_general3A_135 {offsets = [255, 0], sizes = [1, 8], strides = [1, 1]} : vector<256x8xf32> to vector<1x8xf32>
    %add3A_139 = arith.addf %add3A_132, %slice3A_138 : vector<1x8xf32>
    %slice3A_140 = vector.extract_strided_slice %convert_element_type3A_83 {offsets = [1792, 0], sizes = [256, 8], strides = [1, 1]} : vector<2048x8xf32> to vector<256x8xf32>
    %dot_general3A_141 = arith.constant dense<0.000000e+00> : vector<256x8xf32>
    %dot_general3A_142 = tpu.matmul %convert_element_type3A_89, %slice3A_140, %dot_general3A_141 {dimension_numbers = #tpu.dot_dimension_numbers<[1], [0], [0], [1], [0, 0, 1, 1], [], []>, transpose_lhs_hint = false} : vector<256x256xf32>, vector<256x8xf32>, vector<256x8xf32> -> vector<256x8xf32>
    %add3A_143 = vector.broadcast %add3A_139 : vector<1x8xf32> to vector<256x8xf32>
    %add3A_144 = arith.addf %dot_general3A_142, %add3A_143 : vector<256x8xf32>
    %slice3A_145 = vector.extract_strided_slice %dot_general3A_142 {offsets = [255, 0], sizes = [1, 8], strides = [1, 1]} : vector<256x8xf32> to vector<1x8xf32>
    %add3A_146 = arith.addf %add3A_139, %slice3A_145 : vector<1x8xf32>
    %concatenate3A = tpu.concatenate %add3A_95, %add3A_102, %add3A_109, %add3A_116, %add3A_123, %add3A_130, %add3A_137, %add3A_144 in 0 : vector<256x8xf32>, vector<256x8xf32>, vector<256x8xf32>, vector<256x8xf32>, vector<256x8xf32>, vector<256x8xf32>, vector<256x8xf32>, vector<256x8xf32> -> vector<2048x8xf32>
    %slice3A_147 = vector.extract_strided_slice %convert_element_type3A_85 {offsets = [0, 0], sizes = [256, 8], strides = [1, 1]} : vector<2048x8xf32> to vector<256x8xf32>
    %dot_general3A_148 = arith.constant dense<0.000000e+00> : vector<256x8xf32>
    %dot_general3A_149 = tpu.matmul %convert_element_type3A_89, %slice3A_147, %dot_general3A_148 {dimension_numbers = #tpu.dot_dimension_numbers<[1], [0], [0], [1], [0, 0, 1, 1], [], []>, transpose_lhs_hint = false} : vector<256x256xf32>, vector<256x8xf32>, vector<256x8xf32> -> vector<256x8xf32>
    %add3A_150 = vector.broadcast %add3A_146 : vector<1x8xf32> to vector<256x8xf32>
    %add3A_151 = arith.addf %dot_general3A_149, %add3A_150 : vector<256x8xf32>
    %slice3A_152 = vector.extract_strided_slice %dot_general3A_149 {offsets = [255, 0], sizes = [1, 8], strides = [1, 1]} : vector<256x8xf32> to vector<1x8xf32>
    %add3A_153 = arith.addf %add3A_146, %slice3A_152 : vector<1x8xf32>
    %slice3A_154 = vector.extract_strided_slice %convert_element_type3A_85 {offsets = [256, 0], sizes = [256, 8], strides = [1, 1]} : vector<2048x8xf32> to vector<256x8xf32>
    %dot_general3A_155 = arith.constant dense<0.000000e+00> : vector<256x8xf32>
    %dot_general3A_156 = tpu.matmul %convert_element_type3A_89, %slice3A_154, %dot_general3A_155 {dimension_numbers = #tpu.dot_dimension_numbers<[1], [0], [0], [1], [0, 0, 1, 1], [], []>, transpose_lhs_hint = false} : vector<256x256xf32>, vector<256x8xf32>, vector<256x8xf32> -> vector<256x8xf32>
    %add3A_157 = vector.broadcast %add3A_153 : vector<1x8xf32> to vector<256x8xf32>
    %add3A_158 = arith.addf %dot_general3A_156, %add3A_157 : vector<256x8xf32>
    %slice3A_159 = vector.extract_strided_slice %dot_general3A_156 {offsets = [255, 0], sizes = [1, 8], strides = [1, 1]} : vector<256x8xf32> to vector<1x8xf32>
    %add3A_160 = arith.addf %add3A_153, %slice3A_159 : vector<1x8xf32>
    %slice3A_161 = vector.extract_strided_slice %convert_element_type3A_85 {offsets = [512, 0], sizes = [256, 8], strides = [1, 1]} : vector<2048x8xf32> to vector<256x8xf32>
    %dot_general3A_162 = arith.constant dense<0.000000e+00> : vector<256x8xf32>
    %dot_general3A_163 = tpu.matmul %convert_element_type3A_89, %slice3A_161, %dot_general3A_162 {dimension_numbers = #tpu.dot_dimension_numbers<[1], [0], [0], [1], [0, 0, 1, 1], [], []>, transpose_lhs_hint = false} : vector<256x256xf32>, vector<256x8xf32>, vector<256x8xf32> -> vector<256x8xf32>
    %add3A_164 = vector.broadcast %add3A_160 : vector<1x8xf32> to vector<256x8xf32>
    %add3A_165 = arith.addf %dot_general3A_163, %add3A_164 : vector<256x8xf32>
    %slice3A_166 = vector.extract_strided_slice %dot_general3A_163 {offsets = [255, 0], sizes = [1, 8], strides = [1, 1]} : vector<256x8xf32> to vector<1x8xf32>
    %add3A_167 = arith.addf %add3A_160, %slice3A_166 : vector<1x8xf32>
    %slice3A_168 = vector.extract_strided_slice %convert_element_type3A_85 {offsets = [768, 0], sizes = [256, 8], strides = [1, 1]} : vector<2048x8xf32> to vector<256x8xf32>
    %dot_general3A_169 = arith.constant dense<0.000000e+00> : vector<256x8xf32>
    %dot_general3A_170 = tpu.matmul %convert_element_type3A_89, %slice3A_168, %dot_general3A_169 {dimension_numbers = #tpu.dot_dimension_numbers<[1], [0], [0], [1], [0, 0, 1, 1], [], []>, transpose_lhs_hint = false} : vector<256x256xf32>, vector<256x8xf32>, vector<256x8xf32> -> vector<256x8xf32>
    %add3A_171 = vector.broadcast %add3A_167 : vector<1x8xf32> to vector<256x8xf32>
    %add3A_172 = arith.addf %dot_general3A_170, %add3A_171 : vector<256x8xf32>
    %slice3A_173 = vector.extract_strided_slice %dot_general3A_170 {offsets = [255, 0], sizes = [1, 8], strides = [1, 1]} : vector<256x8xf32> to vector<1x8xf32>
    %add3A_174 = arith.addf %add3A_167, %slice3A_173 : vector<1x8xf32>
    %slice3A_175 = vector.extract_strided_slice %convert_element_type3A_85 {offsets = [1024, 0], sizes = [256, 8], strides = [1, 1]} : vector<2048x8xf32> to vector<256x8xf32>
    %dot_general3A_176 = arith.constant dense<0.000000e+00> : vector<256x8xf32>
    %dot_general3A_177 = tpu.matmul %convert_element_type3A_89, %slice3A_175, %dot_general3A_176 {dimension_numbers = #tpu.dot_dimension_numbers<[1], [0], [0], [1], [0, 0, 1, 1], [], []>, transpose_lhs_hint = false} : vector<256x256xf32>, vector<256x8xf32>, vector<256x8xf32> -> vector<256x8xf32>
    %add3A_178 = vector.broadcast %add3A_174 : vector<1x8xf32> to vector<256x8xf32>
    %add3A_179 = arith.addf %dot_general3A_177, %add3A_178 : vector<256x8xf32>
    %slice3A_180 = vector.extract_strided_slice %dot_general3A_177 {offsets = [255, 0], sizes = [1, 8], strides = [1, 1]} : vector<256x8xf32> to vector<1x8xf32>
    %add3A_181 = arith.addf %add3A_174, %slice3A_180 : vector<1x8xf32>
    %slice3A_182 = vector.extract_strided_slice %convert_element_type3A_85 {offsets = [1280, 0], sizes = [256, 8], strides = [1, 1]} : vector<2048x8xf32> to vector<256x8xf32>
    %dot_general3A_183 = arith.constant dense<0.000000e+00> : vector<256x8xf32>
    %dot_general3A_184 = tpu.matmul %convert_element_type3A_89, %slice3A_182, %dot_general3A_183 {dimension_numbers = #tpu.dot_dimension_numbers<[1], [0], [0], [1], [0, 0, 1, 1], [], []>, transpose_lhs_hint = false} : vector<256x256xf32>, vector<256x8xf32>, vector<256x8xf32> -> vector<256x8xf32>
    %add3A_185 = vector.broadcast %add3A_181 : vector<1x8xf32> to vector<256x8xf32>
    %add3A_186 = arith.addf %dot_general3A_184, %add3A_185 : vector<256x8xf32>
    %slice3A_187 = vector.extract_strided_slice %dot_general3A_184 {offsets = [255, 0], sizes = [1, 8], strides = [1, 1]} : vector<256x8xf32> to vector<1x8xf32>
    %add3A_188 = arith.addf %add3A_181, %slice3A_187 : vector<1x8xf32>
    %slice3A_189 = vector.extract_strided_slice %convert_element_type3A_85 {offsets = [1536, 0], sizes = [256, 8], strides = [1, 1]} : vector<2048x8xf32> to vector<256x8xf32>
    %dot_general3A_190 = arith.constant dense<0.000000e+00> : vector<256x8xf32>
    %dot_general3A_191 = tpu.matmul %convert_element_type3A_89, %slice3A_189, %dot_general3A_190 {dimension_numbers = #tpu.dot_dimension_numbers<[1], [0], [0], [1], [0, 0, 1, 1], [], []>, transpose_lhs_hint = false} : vector<256x256xf32>, vector<256x8xf32>, vector<256x8xf32> -> vector<256x8xf32>
    %add3A_192 = vector.broadcast %add3A_188 : vector<1x8xf32> to vector<256x8xf32>
    %add3A_193 = arith.addf %dot_general3A_191, %add3A_192 : vector<256x8xf32>
    %slice3A_194 = vector.extract_strided_slice %dot_general3A_191 {offsets = [255, 0], sizes = [1, 8], strides = [1, 1]} : vector<256x8xf32> to vector<1x8xf32>
    %add3A_195 = arith.addf %add3A_188, %slice3A_194 : vector<1x8xf32>
    %slice3A_196 = vector.extract_strided_slice %convert_element_type3A_85 {offsets = [1792, 0], sizes = [256, 8], strides = [1, 1]} : vector<2048x8xf32> to vector<256x8xf32>
    %dot_general3A_197 = arith.constant dense<0.000000e+00> : vector<256x8xf32>
    %dot_general3A_198 = tpu.matmul %convert_element_type3A_89, %slice3A_196, %dot_general3A_197 {dimension_numbers = #tpu.dot_dimension_numbers<[1], [0], [0], [1], [0, 0, 1, 1], [], []>, transpose_lhs_hint = false} : vector<256x256xf32>, vector<256x8xf32>, vector<256x8xf32> -> vector<256x8xf32>
    %add3A_199 = vector.broadcast %add3A_195 : vector<1x8xf32> to vector<256x8xf32>
    %add3A_200 = arith.addf %dot_general3A_198, %add3A_199 : vector<256x8xf32>
    %slice3A_201 = vector.extract_strided_slice %dot_general3A_198 {offsets = [255, 0], sizes = [1, 8], strides = [1, 1]} : vector<256x8xf32> to vector<1x8xf32>
    %add3A_202 = arith.addf %add3A_195, %slice3A_201 : vector<1x8xf32>
    %concatenate3A_203 = tpu.concatenate %add3A_151, %add3A_158, %add3A_165, %add3A_172, %add3A_179, %add3A_186, %add3A_193, %add3A_200 in 0 : vector<256x8xf32>, vector<256x8xf32>, vector<256x8xf32>, vector<256x8xf32>, vector<256x8xf32>, vector<256x8xf32>, vector<256x8xf32>, vector<256x8xf32> -> vector<2048x8xf32>
    %mul3A_204 = arith.constant 3.906250e-03 : f32
    %mul3A_205 = vector.broadcast %mul3A_204 : f32 to vector<1x8xf32>
    %mul3A_206 = arith.mulf %add3A_202, %mul3A_205 : vector<1x8xf32>
    %ceil3A = math.ceil %mul3A_206 : vector<1x8xf32>
    %mul3A_207 = arith.constant 2.560000e+02 : f32
    %mul3A_208 = vector.broadcast %mul3A_207 : f32 to vector<1x8xf32>
    %mul3A_209 = arith.mulf %ceil3A, %mul3A_208 : vector<1x8xf32>
    %iota3A_210 = tpu.iota {dimensions = array<i32: 0>} : vector<8x8xi32>
    %iota3A_211 = tpu.iota {dimensions = array<i32: 1>} : vector<8x8xi32>
    %lt3A = arith.cmpi slt, %iota3A_210, %iota3A_211 : vector<8x8xi32>
    %convert_element_type3A_212 = arith.extui %lt3A : vector<8x8xi1> to vector<8x8xi32>
    %convert_element_type3A_213 = arith.sitofp %convert_element_type3A_212 : vector<8x8xi32> to vector<8x8xf32>
    %dot_general3A_214 = arith.constant dense<0.000000e+00> : vector<1x8xf32>
    %dot_general3A_215 = tpu.matmul %mul3A_209, %convert_element_type3A_213, %dot_general3A_214 {dimension_numbers = #tpu.dot_dimension_numbers<[1], [0], [0], [1], [0, 0, 1, 1], [], []>, transpose_lhs_hint = false} : vector<1x8xf32>, vector<8x8xf32>, vector<1x8xf32> -> vector<1x8xf32>
    %add3A_216 = vector.broadcast %dot_general3A_215 : vector<1x8xf32> to vector<2048x8xf32>
    %add3A_217 = arith.addf %concatenate3A, %add3A_216 : vector<2048x8xf32>
    %mul3A_218 = arith.mulf %convert_element_type3A_83, %add3A_217 : vector<2048x8xf32>
    %reduce_sum3A_219 = arith.constant dense<0.000000e+00> : vector<2048xf32>
    %reduce_sum3A_220 = vector.multi_reduction <add>, %mul3A_218, %reduce_sum3A_219 [1] : vector<2048x8xf32> to vector<2048xf32>
    %broadcast_in_dim3A_221 = vector.shape_cast %reduce_sum3A_220 : vector<2048xf32> to vector<2048x1xf32>
    %sub3A_222 = arith.constant 1.000000e+00 : f32
    %sub3A_223 = vector.broadcast %sub3A_222 : f32 to vector<2048x1xf32>
    %sub3A_224 = arith.subf %broadcast_in_dim3A_221, %sub3A_223 : vector<2048x1xf32>
    %add3A_225 = vector.broadcast %dot_general3A_215 : vector<1x8xf32> to vector<2048x8xf32>
    %add3A_226 = arith.addf %concatenate3A_203, %add3A_225 : vector<2048x8xf32>
    %mul3A_227 = arith.mulf %convert_element_type3A_85, %add3A_226 : vector<2048x8xf32>
    %reduce_sum3A_228 = arith.constant dense<0.000000e+00> : vector<2048xf32>
    %reduce_sum3A_229 = vector.multi_reduction <add>, %mul3A_227, %reduce_sum3A_228 [1] : vector<2048x8xf32> to vector<2048xf32>
    %broadcast_in_dim3A_230 = vector.shape_cast %reduce_sum3A_229 : vector<2048xf32> to vector<2048x1xf32>
    %sub3A_231 = arith.constant 1.000000e+00 : f32
    %sub3A_232 = vector.broadcast %sub3A_231 : f32 to vector<2048x1xf32>
    %sub3A_233 = arith.subf %broadcast_in_dim3A_230, %sub3A_232 : vector<2048x1xf32>
    %convert_element_type3A_234 = arith.fptosi %sub3A_224 : vector<2048x1xf32> to vector<2048x1xi32>
    %convert_element_type3A_235 = arith.fptosi %sub3A_233 : vector<2048x1xf32> to vector<2048x1xi32>
    %broadcast_in_dim3A_236 = arith.constant 0 : i32
    %broadcast_in_dim3A_237 = vector.broadcast %broadcast_in_dim3A_236 : i32 to vector<2048x6xi32>
    %concatenate3A_238 = tpu.concatenate %convert_element_type3A_234, %convert_element_type3A_235, %broadcast_in_dim3A_237 in 1 : vector<2048x1xi32>, vector<2048x1xi32>, vector<2048x6xi32> -> vector<2048x8xi32>
    %swap3A_239 = arith.constant 0 : index
    %swap3A_240 = arith.constant 0 : index
    %swap3A_241 = vector.load %arg2[%swap3A_239, %swap3A_240] : memref<2048x8xi32, #tpu.memory_space<vmem>>, vector<2048x8xi32>
    tpu.vector_store %arg2[%swap3A_239, %swap3A_240], %concatenate3A_238 {strides = array<i32>} : memref<2048x8xi32, #tpu.memory_space<vmem>>, vector<2048x8xi32>,
    %broadcast_in_dim3A_242 = arith.constant 0.000000e+00 : f32
    %broadcast_in_dim3A_243 = vector.broadcast %broadcast_in_dim3A_242 : f32 to vector<2048x6xf32>
    %concatenate3A_244 = tpu.concatenate %div3A_52, %div3A_53, %broadcast_in_dim3A_243 in 1 : vector<2048x1xf32>, vector<2048x1xf32>, vector<2048x6xf32> -> vector<2048x8xf32>
    %swap3A_245 = arith.constant 0 : index
    %swap3A_246 = arith.constant 0 : index
    %swap3A_247 = vector.load %arg3[%swap3A_245, %swap3A_246] : memref<2048x8xf32, #tpu.memory_space<vmem>>, vector<2048x8xf32>
    tpu.vector_store %arg3[%swap3A_245, %swap3A_246], %concatenate3A_244 {strides = array<i32>} : memref<2048x8xf32, #tpu.memory_space<vmem>>, vector<2048x8xf32>,
    %broadcast_in_dim3A_248 = arith.constant 1.000000e+00 : f32
    %broadcast_in_dim3A_249 = vector.broadcast %broadcast_in_dim3A_248 : f32 to vector<2048x1xf32>
    %add3A_250 = arith.addf %convert_element_type3A_83, %convert_element_type3A_85 : vector<2048x8xf32>
    %dot_general3A_251 = arith.constant dense<0.000000e+00> : vector<8x1xf32>
    %dot_general3A_252 = tpu.matmul %add3A_250, %broadcast_in_dim3A_249, %dot_general3A_251 {dimension_numbers = #tpu.dot_dimension_numbers<[0], [0], [1], [1], [0, 1, 1, 1], [], []>, transpose_lhs_hint = false} : vector<2048x8xf32>, vector<2048x1xf32>, vector<8x1xf32> -> vector<8x1xf32>
    %mul3A_253 = arith.constant 3.906250e-03 : f32
    %mul3A_254 = vector.broadcast %mul3A_253 : f32 to vector<8x1xf32>
    %mul3A_255 = arith.mulf %dot_general3A_252, %mul3A_254 : vector<8x1xf32>
    %ceil3A_256 = math.ceil %mul3A_255 : vector<8x1xf32>
    %mul3A_257 = arith.constant 2.560000e+02 : f32
    %mul3A_258 = vector.broadcast %mul3A_257 : f32 to vector<8x1xf32>
    %mul3A_259 = arith.mulf %ceil3A_256, %mul3A_258 : vector<8x1xf32>
    %lt3A_260 = arith.cmpi slt, %iota3A_211, %iota3A_210 : vector<8x8xi32>
    %convert_element_type3A_261 = arith.extui %lt3A_260 : vector<8x8xi1> to vector<8x8xi32>
    %convert_element_type3A_262 = arith.sitofp %convert_element_type3A_261 : vector<8x8xi32> to vector<8x8xf32>
    %dot_general3A_263 = arith.constant dense<0.000000e+00> : vector<8x1xf32>
    %dot_general3A_264 = tpu.matmul %convert_element_type3A_262, %mul3A_259, %dot_general3A_263 {dimension_numbers = #tpu.dot_dimension_numbers<[1], [0], [0], [1], [0, 0, 1, 1], [], []>, transpose_lhs_hint = false} : vector<8x8xf32>, vector<8x1xf32>, vector<8x1xf32> -> vector<8x1xf32>
    %mul3A_265 = arith.constant 3.906250e-03 : f32
    %mul3A_266 = vector.broadcast %mul3A_265 : f32 to vector<8x1xf32>
    %mul3A_267 = arith.mulf %dot_general3A_264, %mul3A_266 : vector<8x1xf32>
    %iota3A_268 = tpu.iota {dimensions = array<i32: 1>} : vector<8x32xi32>
    %convert_element_type3A_269 = arith.sitofp %iota3A_268 : vector<8x32xi32> to vector<8x32xf32>
    %le3A = vector.broadcast %mul3A_267 : vector<8x1xf32> to vector<8x32xf32>
    %le3A_270 = arith.cmpf ole, %le3A, %convert_element_type3A_269 : vector<8x32xf32>
    %convert_element_type3A_271 = arith.extui %le3A_270 : vector<8x32xi1> to vector<8x32xi32>
    %reduce_sum3A_272 = arith.constant dense<0> : vector<32xi32>
    %reduce_sum3A_273 = vector.multi_reduction <add>, %convert_element_type3A_271, %reduce_sum3A_272 [0] : vector<8x32xi32> to vector<32xi32>
    %broadcast_in_dim3A_274 = vector.shape_cast %reduce_sum3A_273 : vector<32xi32> to vector<1x32xi32>
    %sub3A_275 = arith.constant 1 : i32
    %sub3A_276 = vector.broadcast %sub3A_275 : i32 to vector<1x32xi32>
    %sub3A_277 = arith.subi %broadcast_in_dim3A_274, %sub3A_276 : vector<1x32xi32>
    %mul3A_278 = arith.constant 3.906250e-03 : f32
    %mul3A_279 = vector.broadcast %mul3A_278 : f32 to vector<1x8xf32>
    %mul3A_280 = arith.mulf %mul3A_209, %mul3A_279 : vector<1x8xf32>
    %reduce_sum3A_281 = arith.constant dense<0.000000e+00> : vector<1xf32>
    %reduce_sum3A_282 = vector.multi_reduction <add>, %mul3A_280, %reduce_sum3A_281 [1] : vector<1x8xf32> to vector<1xf32>
    %broadcast_in_dim3A_283 = vector.shape_cast %reduce_sum3A_282 : vector<1xf32> to vector<1x1xf32>
    %convert_element_type3A_284 = arith.fptosi %broadcast_in_dim3A_283 : vector<1x1xf32> to vector<1x1xi32>
    %iota3A_285 = tpu.iota {dimensions = array<i32: 1>} : vector<1x32xi32>
    %eq3A_286 = arith.constant 24 : i32
    %eq3A_287 = vector.broadcast %eq3A_286 : i32 to vector<1x32xi32>
    %eq3A_288 = arith.cmpi eq, %iota3A_285, %eq3A_287 : vector<1x32xi32>
    %broadcast_in_dim3A_289 = vector.shape_cast %convert_element_type3A_284 : vector<1x1xi32> to vector<1x1xi32>
    %broadcast_in_dim3A_290 = vector.broadcast %broadcast_in_dim3A_289 : vector<1x1xi32> to vector<1x32xi32>
    %select_n3A_291 = arith.select %eq3A_288, %broadcast_in_dim3A_290, %sub3A_277 : vector<1x32xi1>, vector<1x32xi32>
    %swap3A_292 = arith.constant 0 : index
    %swap3A_293 = arith.constant 0 : index
    %swap3A_294 = vector.load %arg4[%swap3A_292, %swap3A_293] : memref<1x32xi32, #tpu.memory_space<vmem>>, vector<1x32xi32>
    tpu.vector_store %arg4[%swap3A_292, %swap3A_293], %select_n3A_291 {strides = array<i32>} : memref<1x32xi32, #tpu.memory_space<vmem>>, vector<1x32xi32>,
    return
  }
}

module attributes {stable_mosaic.version = 14 : i64} {
  func.func @_ffn_body(%arg0: i32, %arg1: i32, %arg2: memref<25xi32, #tpu.memory_space<smem>>, %arg3: memref<1x1x256xi32, #tpu.memory_space<vmem>>, %arg4: memref<1x1x1024xi32, #tpu.memory_space<vmem>>, %arg5: memref<1x1x1024xf32, #tpu.memory_space<vmem>>, %arg6: memref<2048x1024xbf16, #tpu.memory_space<vmem>>, %arg7: memref<1x1024x1024xf32, #tpu.memory_space<vmem>>, %arg8: memref<1x1024x1024xf32, #tpu.memory_space<vmem>>, %arg9: memref<1x1024x2048xf32, #tpu.memory_space<vmem>>, %arg10: memref<2048x1024xf32, #tpu.memory_space<vmem>>, %arg11: memref<256x1024xf32, #tpu.memory_space<vmem>>, %arg12: memref<256x1024xf32, #tpu.memory_space<vmem>>, %arg13: memref<1024x1024xbf16, #tpu.memory_space<vmem>>) attributes {dimension_semantics = [#tpu.dimension_semantics<arbitrary>, #tpu.dimension_semantics<arbitrary>], iteration_bounds = array<i64: 24, 2>, scalar_prefetch = 1 : i64, scratch_operands = 3 : i64, tpu.core_type = #tpu.core_type<tc>, window_params = [{transform_indices = @transform_0, window_bounds = array<i64: 1, 1, 256>}, {transform_indices = @transform_1, window_bounds = array<i64: 1, 1, 1024>}, {transform_indices = @transform_2, window_bounds = array<i64: 1, 1, 1024>}, {pipeline_mode = #tpu.pipeline_mode<synchronous>, transform_indices = @transform_3, window_bounds = array<i64: 2048, 1024>}, {transform_indices = @transform_4, window_bounds = array<i64: 1, 1024, 1024>}, {transform_indices = @transform_5, window_bounds = array<i64: 1, 1024, 1024>}, {transform_indices = @transform_6, window_bounds = array<i64: 1, 1024, 2048>}, {pipeline_mode = #tpu.pipeline_mode<synchronous>, transform_indices = @transform_7, window_bounds = array<i64: 2048, 1024>}]} {
    %get3A = arith.constant 24 : index
    %get3A_0 = memref.load %arg2[%get3A] : memref<25xi32, #tpu.memory_space<smem>>
    %lt3A = arith.cmpi slt, %arg0, %get3A_0 : i32
    %convert_element_type3A = arith.extui %lt3A : i1 to i32
    %cond3A = arith.constant 0 : i32
    %cond3A_1 = arith.cmpi ne, %convert_element_type3A, %cond3A : i32
    scf.if %cond3A_1 {
      %eq3A = arith.constant 0 : i32
      %eq3A_2 = arith.cmpi eq, %arg1, %eq3A : i32
      %convert_element_type3A_3 = arith.extui %eq3A_2 : i1 to i32
      %cond3A_4 = arith.constant 0 : i32
      %cond3A_5 = arith.cmpi ne, %convert_element_type3A_3, %cond3A_4 : i32
      scf.if %cond3A_5 {
        %iota3A = tpu.iota {dimensions = array<i32: 0>} : vector<2048x256xi32>
        %get3A_39 = arith.constant 0 : index
        %get3A_40 = arith.constant 0 : index
        %get3A_41 = arith.constant 0 : index
        %get3A_42 = vector.load %arg3[%get3A_39, %get3A_40, %get3A_41] : memref<1x1x256xi32, #tpu.memory_space<vmem>>, vector<1x1x256xi32>
        %get3A_43 = vector.shape_cast %get3A_42 : vector<1x1x256xi32> to vector<1x256xi32>
        %eq3A_44 = vector.broadcast %get3A_43 : vector<1x256xi32> to vector<2048x256xi32>
        %eq3A_45 = arith.cmpi eq, %iota3A, %eq3A_44 : vector<2048x256xi32>
        %jit3A = arith.constant 1.000000e+00 : f32
        %jit3A_46 = arith.constant 0.000000e+00 : f32
        %broadcast_in_dim3A = vector.broadcast %jit3A : f32 to vector<2048x256xf32>
        %broadcast_in_dim3A_47 = vector.broadcast %jit3A_46 : f32 to vector<2048x256xf32>
        %select_n3A = arith.select %eq3A_45, %broadcast_in_dim3A, %broadcast_in_dim3A_47 : vector<2048x256xi1>, vector<2048x256xf32>
        %convert_element_type3A_48 = arith.truncf %select_n3A : vector<2048x256xf32> to vector<2048x256xbf16>
        %get3A_49 = arith.constant 0 : index
        %get3A_50 = arith.constant 0 : index
        %get3A_51 = vector.load %arg6[%get3A_49, %get3A_50] : memref<2048x1024xbf16, #tpu.memory_space<vmem>>, vector<2048x1024xbf16>
        %dot_general3A_52 = arith.constant dense<0.000000e+00> : vector<256x1024xf32>
        %dot_general3A_53 = tpu.matmul %convert_element_type3A_48, %get3A_51, %dot_general3A_52 {dimension_numbers = #tpu.dot_dimension_numbers<[0], [0], [1], [1], [0, 1, 1, 1], [], []>, transpose_lhs_hint = false} : vector<2048x256xbf16>, vector<2048x1024xbf16>, vector<256x1024xf32> -> vector<256x1024xf32>
        %swap3A = arith.constant 0 : index
        %swap3A_54 = arith.constant 0 : index
        %swap3A_55 = vector.load %arg11[%swap3A, %swap3A_54] : memref<256x1024xf32, #tpu.memory_space<vmem>>, vector<256x1024xf32>
        tpu.vector_store %arg11[%swap3A, %swap3A_54], %dot_general3A_53 {strides = array<i32>} : memref<256x1024xf32, #tpu.memory_space<vmem>>, vector<256x1024xf32>,
      } else {
      }
      %get3A_6 = arith.constant 0 : index
      %get3A_7 = arith.constant 0 : index
      %get3A_8 = vector.load %arg11[%get3A_6, %get3A_7] : memref<256x1024xf32, #tpu.memory_space<vmem>>, vector<256x1024xf32>
      %get3A_9 = arith.constant 0 : index
      %get3A_10 = arith.constant 0 : index
      %get3A_11 = arith.constant 0 : index
      %get3A_12 = vector.load %arg7[%get3A_9, %get3A_10, %get3A_11] : memref<1x1024x1024xf32, #tpu.memory_space<vmem>>, vector<1x1024x1024xf32>
      %get3A_13 = vector.shape_cast %get3A_12 : vector<1x1024x1024xf32> to vector<1024x1024xf32>
      %dot_general3A = arith.constant dense<0.000000e+00> : vector<256x1024xf32>
      %dot_general3A_14 = tpu.matmul %get3A_8, %get3A_13, %dot_general3A {dimension_numbers = #tpu.dot_dimension_numbers<[1], [1], [0], [0], [0, 0, 1, 0], [], []>, transpose_lhs_hint = false} : vector<256x1024xf32>, vector<1024x1024xf32>, vector<256x1024xf32> -> vector<256x1024xf32>
      %get3A_15 = arith.constant 0 : index
      %get3A_16 = arith.constant 0 : index
      %get3A_17 = arith.constant 0 : index
      %get3A_18 = vector.load %arg8[%get3A_15, %get3A_16, %get3A_17] : memref<1x1024x1024xf32, #tpu.memory_space<vmem>>, vector<1x1024x1024xf32>
      %get3A_19 = vector.shape_cast %get3A_18 : vector<1x1024x1024xf32> to vector<1024x1024xf32>
      %dot_general3A_20 = arith.constant dense<0.000000e+00> : vector<256x1024xf32>
      %dot_general3A_21 = tpu.matmul %get3A_8, %get3A_19, %dot_general3A_20 {dimension_numbers = #tpu.dot_dimension_numbers<[1], [1], [0], [0], [0, 0, 1, 0], [], []>, transpose_lhs_hint = false} : vector<256x1024xf32>, vector<1024x1024xf32>, vector<256x1024xf32> -> vector<256x1024xf32>
      %logistic3A = arith.negf %dot_general3A_14 : vector<256x1024xf32>
      %logistic3A_22 = math.exp %logistic3A : vector<256x1024xf32>
      %logistic3A_23 = arith.constant 1.000000e+00 : f32
      %logistic3A_24 = vector.broadcast %logistic3A_23 : f32 to vector<256x1024xf32>
      %logistic3A_25 = arith.addf %logistic3A_24, %logistic3A_22 : vector<256x1024xf32>
      %logistic3A_26 = arith.divf %logistic3A_24, %logistic3A_25 : vector<256x1024xf32>
      %mul3A = arith.mulf %dot_general3A_14, %logistic3A_26 : vector<256x1024xf32>
      %mul3A_27 = arith.mulf %mul3A, %dot_general3A_21 : vector<256x1024xf32>
      %add3A = arith.addi %arg1, %arg0 : i32
      %rem3A = arith.constant 2 : i32
      %rem3A_28 = arith.remsi %add3A, %rem3A : i32
      %eq3A_29 = arith.constant 0 : i32
      %eq3A_30 = arith.cmpi eq, %rem3A_28, %eq3A_29 : i32
      %convert_element_type3A_31 = arith.extui %eq3A_30 : i1 to i32
      %cond3A_32 = arith.constant 0 : i32
      %cond3A_33 = arith.cmpi ne, %convert_element_type3A_31, %cond3A_32 : i32
      scf.if %cond3A_33 {
        %get3A_39 = arith.constant 0 : index
        %get3A_40 = arith.constant 0 : index
        %get3A_41 = arith.constant 0 : index
        %get3A_42 = vector.load %arg9[%get3A_39, %get3A_40, %get3A_41] : memref<1x1024x2048xf32, #tpu.memory_space<vmem>>, vector<1x1024x2048xf32>
        %get3A_43 = vector.shape_cast %get3A_42 : vector<1x1024x2048xf32> to vector<1024x2048xf32>
        %slice3A = vector.extract_strided_slice %get3A_43 {offsets = [0, 0], sizes = [1024, 1024], strides = [1, 1]} : vector<1024x2048xf32> to vector<1024x1024xf32>
        %dot_general3A_44 = arith.constant dense<0.000000e+00> : vector<256x1024xf32>
        %dot_general3A_45 = tpu.matmul %mul3A_27, %slice3A, %dot_general3A_44 {dimension_numbers = #tpu.dot_dimension_numbers<[1], [1], [0], [0], [0, 0, 1, 0], [], []>, transpose_lhs_hint = false} : vector<256x1024xf32>, vector<1024x1024xf32>, vector<256x1024xf32> -> vector<256x1024xf32>
        %eq3A_46 = arith.constant 0 : i32
        %eq3A_47 = arith.cmpi eq, %arg1, %eq3A_46 : i32
        %convert_element_type3A_48 = arith.extui %eq3A_47 : i1 to i32
        %cond3A_49 = arith.constant 0 : i32
        %cond3A_50 = arith.cmpi ne, %convert_element_type3A_48, %cond3A_49 : i32
        scf.if %cond3A_50 {
          %swap3A = arith.constant 0 : index
          %swap3A_56 = arith.constant 0 : index
          %swap3A_57 = vector.load %arg12[%swap3A, %swap3A_56] : memref<256x1024xf32, #tpu.memory_space<vmem>>, vector<256x1024xf32>
          tpu.vector_store %arg12[%swap3A, %swap3A_56], %dot_general3A_45 {strides = array<i32>} : memref<256x1024xf32, #tpu.memory_space<vmem>>, vector<256x1024xf32>,
        } else {
        }
        %eq3A_51 = arith.constant 1 : i32
        %eq3A_52 = arith.cmpi eq, %arg1, %eq3A_51 : i32
        %convert_element_type3A_53 = arith.extui %eq3A_52 : i1 to i32
        %cond3A_54 = arith.constant 0 : i32
        %cond3A_55 = arith.cmpi ne, %convert_element_type3A_53, %cond3A_54 : i32
        scf.if %cond3A_55 {
          %get3A_56 = arith.constant 0 : index
          %get3A_57 = arith.constant 0 : index
          %get3A_58 = vector.load %arg12[%get3A_56, %get3A_57] : memref<256x1024xf32, #tpu.memory_space<vmem>>, vector<256x1024xf32>
          %add3A_59 = arith.addf %get3A_58, %dot_general3A_45 : vector<256x1024xf32>
          %convert_element_type3A_60 = arith.truncf %add3A_59 : vector<256x1024xf32> to vector<256x1024xbf16>
          %rem3A_61 = arith.constant 4 : i32
          %rem3A_62 = arith.remsi %arg0, %rem3A_61 : i32
          %mul3A_63 = arith.constant 256 : i32
          %mul3A_64 = arith.muli %rem3A_62, %mul3A_63 : i32
          %swap3A = arith.index_cast %mul3A_64 : i32 to index
          %swap3A_65 = arith.constant 0 : index
          %swap3A_66 = vector.load %arg13[%swap3A, %swap3A_65] : memref<1024x1024xbf16, #tpu.memory_space<vmem>>, vector<256x1024xbf16>
          tpu.vector_store %arg13[%swap3A, %swap3A_65], %convert_element_type3A_60 {strides = array<i32>} : memref<1024x1024xbf16, #tpu.memory_space<vmem>>, vector<256x1024xbf16>,
        } else {
        }
      } else {
      }
      %eq3A_34 = arith.constant 1 : i32
      %eq3A_35 = arith.cmpi eq, %rem3A_28, %eq3A_34 : i32
      %convert_element_type3A_36 = arith.extui %eq3A_35 : i1 to i32
      %cond3A_37 = arith.constant 0 : i32
      %cond3A_38 = arith.cmpi ne, %convert_element_type3A_36, %cond3A_37 : i32
      scf.if %cond3A_38 {
        %get3A_39 = arith.constant 0 : index
        %get3A_40 = arith.constant 0 : index
        %get3A_41 = arith.constant 0 : index
        %get3A_42 = vector.load %arg9[%get3A_39, %get3A_40, %get3A_41] : memref<1x1024x2048xf32, #tpu.memory_space<vmem>>, vector<1x1024x2048xf32>
        %get3A_43 = vector.shape_cast %get3A_42 : vector<1x1024x2048xf32> to vector<1024x2048xf32>
        %slice3A = vector.extract_strided_slice %get3A_43 {offsets = [0, 1024], sizes = [1024, 1024], strides = [1, 1]} : vector<1024x2048xf32> to vector<1024x1024xf32>
        %dot_general3A_44 = arith.constant dense<0.000000e+00> : vector<256x1024xf32>
        %dot_general3A_45 = tpu.matmul %mul3A_27, %slice3A, %dot_general3A_44 {dimension_numbers = #tpu.dot_dimension_numbers<[1], [1], [0], [0], [0, 0, 1, 0], [], []>, transpose_lhs_hint = false} : vector<256x1024xf32>, vector<1024x1024xf32>, vector<256x1024xf32> -> vector<256x1024xf32>
        %eq3A_46 = arith.constant 0 : i32
        %eq3A_47 = arith.cmpi eq, %arg1, %eq3A_46 : i32
        %convert_element_type3A_48 = arith.extui %eq3A_47 : i1 to i32
        %cond3A_49 = arith.constant 0 : i32
        %cond3A_50 = arith.cmpi ne, %convert_element_type3A_48, %cond3A_49 : i32
        scf.if %cond3A_50 {
          %swap3A = arith.constant 0 : index
          %swap3A_65 = arith.constant 0 : index
          %swap3A_66 = vector.load %arg12[%swap3A, %swap3A_65] : memref<256x1024xf32, #tpu.memory_space<vmem>>, vector<256x1024xf32>
          tpu.vector_store %arg12[%swap3A, %swap3A_65], %dot_general3A_45 {strides = array<i32>} : memref<256x1024xf32, #tpu.memory_space<vmem>>, vector<256x1024xf32>,
        } else {
        }
        %eq3A_51 = arith.constant 1 : i32
        %eq3A_52 = arith.cmpi eq, %arg1, %eq3A_51 : i32
        %convert_element_type3A_53 = arith.extui %eq3A_52 : i1 to i32
        %cond3A_54 = arith.constant 0 : i32
        %cond3A_55 = arith.cmpi ne, %convert_element_type3A_53, %cond3A_54 : i32
        scf.if %cond3A_55 {
          %get3A_65 = arith.constant 0 : index
          %get3A_66 = arith.constant 0 : index
          %get3A_67 = vector.load %arg12[%get3A_65, %get3A_66] : memref<256x1024xf32, #tpu.memory_space<vmem>>, vector<256x1024xf32>
          %add3A_68 = arith.addf %get3A_67, %dot_general3A_45 : vector<256x1024xf32>
          %convert_element_type3A_69 = arith.truncf %add3A_68 : vector<256x1024xf32> to vector<256x1024xbf16>
          %rem3A_70 = arith.constant 4 : i32
          %rem3A_71 = arith.remsi %arg0, %rem3A_70 : i32
          %mul3A_72 = arith.constant 256 : i32
          %mul3A_73 = arith.muli %rem3A_71, %mul3A_72 : i32
          %swap3A = arith.index_cast %mul3A_73 : i32 to index
          %swap3A_74 = arith.constant 0 : index
          %swap3A_75 = vector.load %arg13[%swap3A, %swap3A_74] : memref<1024x1024xbf16, #tpu.memory_space<vmem>>, vector<256x1024xbf16>
          tpu.vector_store %arg13[%swap3A, %swap3A_74], %convert_element_type3A_69 {strides = array<i32>} : memref<1024x1024xbf16, #tpu.memory_space<vmem>>, vector<256x1024xbf16>,
        } else {
        }
        %rem3A_56 = arith.constant 4 : i32
        %rem3A_57 = arith.remsi %arg0, %rem3A_56 : i32
        %eq3A_58 = arith.constant 3 : i32
        %eq3A_59 = arith.cmpi eq, %rem3A_57, %eq3A_58 : i32
        %sub3A = arith.constant 1 : i32
        %sub3A_60 = arith.subi %get3A_0, %sub3A : i32
        %eq3A_61 = arith.cmpi eq, %arg0, %sub3A_60 : i32
        %or3A = arith.ori %eq3A_59, %eq3A_61 : i1
        %convert_element_type3A_62 = arith.extui %or3A : i1 to i32
        %cond3A_63 = arith.constant 0 : i32
        %cond3A_64 = arith.cmpi ne, %convert_element_type3A_62, %cond3A_63 : i32
        scf.if %cond3A_64 {
          %iota3A = tpu.iota {dimensions = array<i32: 0>} : vector<2048x1024xi32>
          %get3A_65 = arith.constant 0 : index
          %get3A_66 = arith.constant 0 : index
          %get3A_67 = arith.constant 0 : index
          %get3A_68 = vector.load %arg4[%get3A_65, %get3A_66, %get3A_67] : memref<1x1x1024xi32, #tpu.memory_space<vmem>>, vector<1x1x1024xi32>
          %get3A_69 = vector.shape_cast %get3A_68 : vector<1x1x1024xi32> to vector<1x1024xi32>
          %eq3A_70 = vector.broadcast %get3A_69 : vector<1x1024xi32> to vector<2048x1024xi32>
          %eq3A_71 = arith.cmpi eq, %iota3A, %eq3A_70 : vector<2048x1024xi32>
          %get3A_72 = arith.constant 0 : index
          %get3A_73 = arith.constant 0 : index
          %get3A_74 = arith.constant 0 : index
          %get3A_75 = vector.load %arg5[%get3A_72, %get3A_73, %get3A_74] : memref<1x1x1024xf32, #tpu.memory_space<vmem>>, vector<1x1x1024xf32>
          %get3A_76 = vector.shape_cast %get3A_75 : vector<1x1x1024xf32> to vector<1x1024xf32>
          %jit3A = arith.constant 0.000000e+00 : f32
          %broadcast_in_dim3A = vector.shape_cast %get3A_76 : vector<1x1024xf32> to vector<1x1024xf32>
          %broadcast_in_dim3A_77 = vector.broadcast %broadcast_in_dim3A : vector<1x1024xf32> to vector<2048x1024xf32>
          %broadcast_in_dim3A_78 = vector.broadcast %jit3A : f32 to vector<2048x1024xf32>
          %select_n3A = arith.select %eq3A_71, %broadcast_in_dim3A_77, %broadcast_in_dim3A_78 : vector<2048x1024xi1>, vector<2048x1024xf32>
          %convert_element_type3A_79 = arith.truncf %select_n3A : vector<2048x1024xf32> to vector<2048x1024xbf16>
          %get3A_80 = arith.constant 0 : index
          %get3A_81 = arith.constant 0 : index
          %get3A_82 = vector.load %arg13[%get3A_80, %get3A_81] : memref<1024x1024xbf16, #tpu.memory_space<vmem>>, vector<1024x1024xbf16>
          %dot_general3A_83 = arith.constant dense<0.000000e+00> : vector<2048x1024xf32>
          %dot_general3A_84 = tpu.matmul %convert_element_type3A_79, %get3A_82, %dot_general3A_83 {dimension_numbers = #tpu.dot_dimension_numbers<[1], [0], [0], [1], [0, 0, 1, 1], [], []>, transpose_lhs_hint = false} : vector<2048x1024xbf16>, vector<1024x1024xbf16>, vector<2048x1024xf32> -> vector<2048x1024xf32>
          %lt3A_85 = arith.constant 4 : i32
          %lt3A_86 = arith.cmpi slt, %arg0, %lt3A_85 : i32
          %convert_element_type3A_87 = arith.extui %lt3A_86 : i1 to i32
          %cond3A_88 = arith.constant 0 : i32
          %cond3A_89 = arith.cmpi ne, %convert_element_type3A_87, %cond3A_88 : i32
          scf.if %cond3A_89 {
            %swap3A = arith.constant 0 : index
            %swap3A_94 = arith.constant 0 : index
            %swap3A_95 = vector.load %arg10[%swap3A, %swap3A_94] : memref<2048x1024xf32, #tpu.memory_space<vmem>>, vector<2048x1024xf32>
            tpu.vector_store %arg10[%swap3A, %swap3A_94], %dot_general3A_84 {strides = array<i32>} : memref<2048x1024xf32, #tpu.memory_space<vmem>>, vector<2048x1024xf32>,
          } else {
          }
          %ge3A = arith.constant 4 : i32
          %ge3A_90 = arith.cmpi sge, %arg0, %ge3A : i32
          %convert_element_type3A_91 = arith.extui %ge3A_90 : i1 to i32
          %cond3A_92 = arith.constant 0 : i32
          %cond3A_93 = arith.cmpi ne, %convert_element_type3A_91, %cond3A_92 : i32
          scf.if %cond3A_93 {
            %get3A_94 = arith.constant 0 : index
            %get3A_95 = arith.constant 0 : index
            %get3A_96 = vector.load %arg10[%get3A_94, %get3A_95] : memref<2048x1024xf32, #tpu.memory_space<vmem>>, vector<2048x1024xf32>
            %add3A_97 = arith.addf %get3A_96, %dot_general3A_84 : vector<2048x1024xf32>
            %swap3A = arith.constant 0 : index
            %swap3A_98 = arith.constant 0 : index
            %swap3A_99 = vector.load %arg10[%swap3A, %swap3A_98] : memref<2048x1024xf32, #tpu.memory_space<vmem>>, vector<2048x1024xf32>
            tpu.vector_store %arg10[%swap3A, %swap3A_98], %add3A_97 {strides = array<i32>} : memref<2048x1024xf32, #tpu.memory_space<vmem>>, vector<2048x1024xf32>,
          } else {
          }
        } else {
        }
      } else {
      }
    } else {
    }
    return
  }
  func.func @transform_0(%arg0: i32, %arg1: i32, %arg2: memref<25xi32, #tpu.memory_space<smem>>) -> (i32, i32, i32) {
    %c0_i32 = arith.constant 0 : i32
    %c0_i32_0 = arith.constant 0 : i32
    %c0_i32_1 = arith.constant 0 : i32
    return %arg0, %c0_i32, %c0_i32_0 : i32, i32, i32
  }
  func.func @transform_1(%arg0: i32, %arg1: i32, %arg2: memref<25xi32, #tpu.memory_space<smem>>) -> (i32, i32, i32) {
    %jit3A = arith.constant 4 : i32
    %div3A = arith.divsi %arg0, %jit3A : i32
    %sign3A = arith.constant 0 : i32
    %sign3A_0 = arith.cmpi sgt, %arg0, %sign3A : i32
    %sign3A_1 = arith.extui %sign3A_0 : i1 to i32
    %sign3A_2 = arith.constant 0 : i32
    %sign3A_3 = arith.cmpi slt, %arg0, %sign3A_2 : i32
    %sign3A_4 = arith.extui %sign3A_3 : i1 to i32
    %sign3A_5 = arith.subi %sign3A_1, %sign3A_4 : i32
    %sign3A_6 = arith.constant 0 : i32
    %sign3A_7 = arith.cmpi sgt, %jit3A, %sign3A_6 : i32
    %sign3A_8 = arith.extui %sign3A_7 : i1 to i32
    %sign3A_9 = arith.constant 0 : i32
    %sign3A_10 = arith.cmpi slt, %jit3A, %sign3A_9 : i32
    %sign3A_11 = arith.extui %sign3A_10 : i1 to i32
    %sign3A_12 = arith.subi %sign3A_8, %sign3A_11 : i32
    %ne3A = arith.cmpi ne, %sign3A_5, %sign3A_12 : i32
    %rem3A = arith.remsi %arg0, %jit3A : i32
    %ne3A_13 = arith.constant 0 : i32
    %ne3A_14 = arith.cmpi ne, %rem3A, %ne3A_13 : i32
    %and3A = arith.andi %ne3A, %ne3A_14 : i1
    %sub3A = arith.constant 1 : i32
    %sub3A_15 = arith.subi %div3A, %sub3A : i32
    %select_n3A = arith.select %and3A, %sub3A_15, %div3A : i32
    %c0_i32 = arith.constant 0 : i32
    %c0_i32_16 = arith.constant 0 : i32
    %c0_i32_17 = arith.constant 0 : i32
    return %select_n3A, %c0_i32, %c0_i32_16 : i32, i32, i32
  }
  func.func @transform_2(%arg0: i32, %arg1: i32, %arg2: memref<25xi32, #tpu.memory_space<smem>>) -> (i32, i32, i32) {
    %jit3A = arith.constant 4 : i32
    %div3A = arith.divsi %arg0, %jit3A : i32
    %sign3A = arith.constant 0 : i32
    %sign3A_0 = arith.cmpi sgt, %arg0, %sign3A : i32
    %sign3A_1 = arith.extui %sign3A_0 : i1 to i32
    %sign3A_2 = arith.constant 0 : i32
    %sign3A_3 = arith.cmpi slt, %arg0, %sign3A_2 : i32
    %sign3A_4 = arith.extui %sign3A_3 : i1 to i32
    %sign3A_5 = arith.subi %sign3A_1, %sign3A_4 : i32
    %sign3A_6 = arith.constant 0 : i32
    %sign3A_7 = arith.cmpi sgt, %jit3A, %sign3A_6 : i32
    %sign3A_8 = arith.extui %sign3A_7 : i1 to i32
    %sign3A_9 = arith.constant 0 : i32
    %sign3A_10 = arith.cmpi slt, %jit3A, %sign3A_9 : i32
    %sign3A_11 = arith.extui %sign3A_10 : i1 to i32
    %sign3A_12 = arith.subi %sign3A_8, %sign3A_11 : i32
    %ne3A = arith.cmpi ne, %sign3A_5, %sign3A_12 : i32
    %rem3A = arith.remsi %arg0, %jit3A : i32
    %ne3A_13 = arith.constant 0 : i32
    %ne3A_14 = arith.cmpi ne, %rem3A, %ne3A_13 : i32
    %and3A = arith.andi %ne3A, %ne3A_14 : i1
    %sub3A = arith.constant 1 : i32
    %sub3A_15 = arith.subi %div3A, %sub3A : i32
    %select_n3A = arith.select %and3A, %sub3A_15, %div3A : i32
    %c0_i32 = arith.constant 0 : i32
    %c0_i32_16 = arith.constant 0 : i32
    %c0_i32_17 = arith.constant 0 : i32
    return %select_n3A, %c0_i32, %c0_i32_16 : i32, i32, i32
  }
  func.func @transform_3(%arg0: i32, %arg1: i32, %arg2: memref<25xi32, #tpu.memory_space<smem>>) -> (i32, i32) {
    %c0_i32 = arith.constant 0 : i32
    %c0_i32_0 = arith.constant 0 : i32
    %c0_i32_1 = arith.constant 0 : i32
    return %c0_i32, %c0_i32_0 : i32, i32
  }
  func.func @transform_4(%arg0: i32, %arg1: i32, %arg2: memref<25xi32, #tpu.memory_space<smem>>) -> (i32, i32, i32) {
    %get3A = arith.index_cast %arg0 : i32 to index
    %get3A_0 = memref.load %arg2[%get3A] : memref<25xi32, #tpu.memory_space<smem>>
    %jit3A = arith.constant 2 : i32
    %eq3A = arith.constant 0 : i32
    %eq3A_1 = arith.cmpi eq, %jit3A, %eq3A : i32
    %jit3A_2 = arith.constant 1 : i32
    %select_n3A = arith.select %eq3A_1, %jit3A_2, %jit3A : i32
    %rem3A = arith.remsi %arg0, %select_n3A : i32
    %ne3A = arith.constant 0 : i32
    %ne3A_3 = arith.cmpi ne, %rem3A, %ne3A : i32
    %lt3A = arith.constant 0 : i32
    %lt3A_4 = arith.cmpi slt, %rem3A, %lt3A : i32
    %lt3A_5 = arith.constant 0 : i32
    %lt3A_6 = arith.cmpi slt, %select_n3A, %lt3A_5 : i32
    %ne3A_7 = arith.xori %lt3A_4, %lt3A_6 : i1
    %and3A = arith.andi %ne3A_7, %ne3A_3 : i1
    %add3A = arith.addi %rem3A, %select_n3A : i32
    %select_n3A_8 = arith.select %and3A, %add3A, %rem3A : i32
    %xor3A = arith.xori %arg1, %select_n3A_8 : i32
    %c0_i32 = arith.constant 0 : i32
    %c0_i32_9 = arith.constant 0 : i32
    return %get3A_0, %xor3A, %c0_i32 : i32, i32, i32
  }
  func.func @transform_5(%arg0: i32, %arg1: i32, %arg2: memref<25xi32, #tpu.memory_space<smem>>) -> (i32, i32, i32) {
    %get3A = arith.index_cast %arg0 : i32 to index
    %get3A_0 = memref.load %arg2[%get3A] : memref<25xi32, #tpu.memory_space<smem>>
    %jit3A = arith.constant 2 : i32
    %eq3A = arith.constant 0 : i32
    %eq3A_1 = arith.cmpi eq, %jit3A, %eq3A : i32
    %jit3A_2 = arith.constant 1 : i32
    %select_n3A = arith.select %eq3A_1, %jit3A_2, %jit3A : i32
    %rem3A = arith.remsi %arg0, %select_n3A : i32
    %ne3A = arith.constant 0 : i32
    %ne3A_3 = arith.cmpi ne, %rem3A, %ne3A : i32
    %lt3A = arith.constant 0 : i32
    %lt3A_4 = arith.cmpi slt, %rem3A, %lt3A : i32
    %lt3A_5 = arith.constant 0 : i32
    %lt3A_6 = arith.cmpi slt, %select_n3A, %lt3A_5 : i32
    %ne3A_7 = arith.xori %lt3A_4, %lt3A_6 : i1
    %and3A = arith.andi %ne3A_7, %ne3A_3 : i1
    %add3A = arith.addi %rem3A, %select_n3A : i32
    %select_n3A_8 = arith.select %and3A, %add3A, %rem3A : i32
    %xor3A = arith.xori %arg1, %select_n3A_8 : i32
    %c0_i32 = arith.constant 0 : i32
    %c0_i32_9 = arith.constant 0 : i32
    return %get3A_0, %xor3A, %c0_i32 : i32, i32, i32
  }
  func.func @transform_6(%arg0: i32, %arg1: i32, %arg2: memref<25xi32, #tpu.memory_space<smem>>) -> (i32, i32, i32) {
    %get3A = arith.index_cast %arg0 : i32 to index
    %get3A_0 = memref.load %arg2[%get3A] : memref<25xi32, #tpu.memory_space<smem>>
    %c0_i32 = arith.constant 0 : i32
    %c0_i32_1 = arith.constant 0 : i32
    %c0_i32_2 = arith.constant 0 : i32
    return %get3A_0, %c0_i32, %c0_i32_1 : i32, i32, i32
  }
  func.func @transform_7(%arg0: i32, %arg1: i32, %arg2: memref<25xi32, #tpu.memory_space<smem>>) -> (i32, i32) {
    %c0_i32 = arith.constant 0 : i32
    %c0_i32_0 = arith.constant 0 : i32
    %c0_i32_1 = arith.constant 0 : i32
    return %c0_i32, %c0_i32_0 : i32, i32
  }
}

</mosaic_0001>

<sc_bundles>
// kernel: kernel.5.cloned.1.call-start
scs
__scs_entry_jumppad:
0x0: {  	(pc) =	sbr.rel $0x88, $3  }
0x1: {  	(tag) =	ssettag $0x0;
	lr =	simm.s32 $0x1  }
0x2: {  	[smem:$0x3F9C] =	sst lr;
	_ =	strace $0xD0000000  }
0x3: {  	_ = 	snop  }
0x4: {  	_ = 	snop  }
0x5: {  	_ = 	snop  }
0x6: {  	_ = 	snop  }
0x7: {  	_ = 	snop  }
__scs_overlays_trampoline_lowered:
0x8: {  	[smem:$0x3FAB] =	sst s0  }
0x9: {  	[smem:$0x3FAC] =	sst s1  }
0xa: {  	[smem:$0x3FAD] =	sst s2  }
0xb: {  	[smem:$0x3FAE] =	sst s3  }
0xc: {  	[smem:$0x3FAF] =	sst s4  }
0xd: {  	[smem:$0x3FB0] =	sst s5  }
0xe: {  	[smem:$0x3FB1] =	sst s6  }
0xf: {  	[smem:$0x3FB2] =	sst s7  }
0x10: {  	[smem:$0x3FB3] =	sst s8  }
0x11: {  	[smem:$0x3FB4] =	sst s9;
	s0 =	simm.s32 @!p0 $0x0  }
0x12: {  	s1 =	sld [smem:$0x3F9A];
	s0 =	simm.s32 @p0 $0x1  }
0x13: {  	[smem:$0x3FB5] =	sst s0;
	s0 =	simm.s32 @!p1 $0x0  }
0x14: {  	s2 =	sld [smem:$0x3F99];
	s0 =	simm.s32 @p1 $0x1  }
0x15: {  	[smem:$0x3FB6] =	sst s0;
	s0 =	simm.s32 @!p2 $0x0  }
0x16: {  	s3 =	sld [smem:$0x3FDB];
	s0 =	simm.s32 @p2 $0x1  }
0x17: {  	s4 =	simm.s32 $0x1BF5;
	[smem:$0x3FB8] =	sst s0  }
0x18: {  	s0 =	sld [smem:$0x3F9B];
	_ =	swait.ge [sflag:s4], $0x0  }
0x19: {  	s7 =	sld [smem:$0x3F9C]  }
0x1a: {  	s8 =	sadd.s32 $0xFFFFE003, lr  }
0x1b: {  	s9 =	sadd.s32 $0xFFFFFEF7, lr;
	s5 =	simm.s32 $0xFFFFFFFF;
	p2 =	slt.u32 s8, $0xFFFFF086  }
0x1c: {  	p1 =	slt.u32 s9, $0xF7A;
	s5 =	simm.s32 @!p2 $0x0  }
0x1d: {  	s5 =	simm.s32 @p1 $0x1;
	p0 =	seq.s32 s7, s2  }
0x1e: {  	s7 =	smul.u32 @!p0 $0xF7A, s2;
	p2 =	seq.s32 @!p0 s5, $0x0  }
0x1f: {  	s9 =	smul.u32 $0xF7A, s1;
	s8 =	simm.s32 @!p0 $0x1BF5;
	p2 =	por !p2, p0  }
0x20: {  	[sflag:s8] =	ssyncset.s32 @!p0 $0xFFFFF086;
	s6 =	sadd.s32 @!p0 s3, s7;
	s7 =	simm.s32 @!p0 $0x108  }
0x21: {  	s3 =	sadd.s32 s3, s9;
	s6 =	sadd.s32 @!p0 $0x88, s6;
	s7 =	simm.s32 @p2 $0x1082  }
0x22: {  	[simem:s7], [sflag:s8] =	dma.local @!p0 [hbm:s6], $0xF7A  }
0x23: {  	s9 =	sor.u32 $0xD0000000, s2;
	s6 =	simm.s32 $0x108;
	_ =	swait.ge @!p0 [sflag:s8], $0x0  }
0x24: {  	s3 =	sadd.s32 $0x88, s3;
	s6 =	simm.s32 @!p1 $0x1082;
	[sflag:s4] =	ssyncset.s32 $0xFFFFF086  }
0x25: {  	[simem:s6], [sflag:s4] =	dma.local [hbm:s3], $0xF7A  }
0x26: {  	[smem:$0x3F9C] =	sst s1;
	(tag) =	ssettag s2;
	_ =	strace s9  }
0x27: {  	s1 =	sld [smem:$0x3FAC]  }
0x28: {  	s2 =	sld [smem:$0x3FAD]  }
0x29: {  	s4 =	sld [smem:$0x3FAF]  }
0x2a: {  	p0 =	seq.s32 s5, $0x0;
	s5 =	sld [smem:$0x3FB0]  }
0x2b: {  	s6 =	sld [smem:$0x3FB1]  }
0x2c: {  	s7 =	sld [smem:$0x3FB2]  }
0x2d: {  	s3 =	simm.s32 $0x108;
	s8 =	sld [smem:$0x3FB3]  }
0x2e: {  	s3 =	simm.s32 @!p0 $0x1082;
	s9 =	sld [smem:$0x3FB4]  }
0x2f: {  	lr =	sadd.s32 s0, s3;
	s0 =	sld [smem:$0x3FAB]  }
0x30: {  	s3 =	sld [smem:$0x3FAE]  }
0x31: {  	[smem:$0x3FB7] =	sst s10  }
0x32: {  	s10 =	sld [smem:$0x3FB5];
	_ =	sdelay $0x3  }
0x33: {  	p0 =	seq.s32 s10, $0x1;
	s10 =	sld [smem:$0x3FB7];
	_ =	sdelay $0x3  }
0x34: {  	[smem:$0x3FB7] =	sst s10  }
0x35: {  	s10 =	sld [smem:$0x3FB6];
	_ =	sdelay $0x3  }
0x36: {  	p1 =	seq.s32 s10, $0x1;
	s10 =	sld [smem:$0x3FB7];
	_ =	sdelay $0x3  }
0x37: {  	[smem:$0x3FB7] =	sst s10  }
0x38: {  	s10 =	sld [smem:$0x3FB8]  }
0x39: {  	_ = 	snop;
	(pc) =	sbr.ind lr, $3  }
0x3a: {  	_ = 	snop  }
0x3b: {  	_ = 	snop  }
0x3c: {  	p2 =	seq.s32 s10, $0x1;
	s10 =	sld [smem:$0x3FB7]  }
0x3d: {  	_ =	shalt  }
0x3e: {  	_ =	shalt  }
0x3f: {  	_ =	shalt  }
0x40: {  	_ =	shalt  }
0x41: {  	_ =	shalt  }
0x42: {  	_ =	shalt  }
0x43: {  	_ =	shalt  }
0x44: {  	_ =	shalt  }
0x45: {  	_ =	shalt  }
0x46: {  	_ =	shalt  }
0x47: {  	_ =	shalt  }
0x48: {  	_ =	shalt  }
0x49: {  	_ =	shalt  }
0x4a: {  	_ =	shalt  }
0x4b: {  	_ =	shalt  }
0x4c: {  	_ =	shalt  }
0x4d: {  	_ =	shalt  }
0x4e: {  	_ =	shalt  }
0x4f: {  	_ =	shalt  }
0x50: {  	_ =	shalt  }
0x51: {  	_ =	shalt  }
0x52: {  	_ =	shalt  }
0x53: {  	_ =	shalt  }
0x54: {  	_ =	shalt  }
0x55: {  	_ =	shalt  }
0x56: {  	_ =	shalt  }
0x57: {  	_ =	shalt  }
0x58: {  	_ =	shalt  }
0x59: {  	_ =	shalt  }
0x5a: {  	_ =	shalt  }
0x5b: {  	_ =	shalt  }
0x5c: {  	_ =	shalt  }
0x5d: {  	_ =	shalt  }
0x5e: {  	_ =	shalt  }
0x5f: {  	_ =	shalt  }
0x60: {  	_ =	shalt  }
0x61: {  	_ =	shalt  }
0x62: {  	_ =	shalt  }
0x63: {  	_ =	shalt  }
0x64: {  	_ =	shalt  }
0x65: {  	_ =	shalt  }
0x66: {  	_ =	shalt  }
0x67: {  	_ =	shalt  }
0x68: {  	_ =	shalt  }
0x69: {  	_ =	shalt  }
0x6a: {  	_ =	shalt  }
0x6b: {  	_ =	shalt  }
0x6c: {  	_ =	shalt  }
0x6d: {  	_ =	shalt  }
0x6e: {  	_ =	shalt  }
0x6f: {  	_ =	shalt  }
0x70: {  	_ =	shalt  }
0x71: {  	_ =	shalt  }
0x72: {  	_ =	shalt  }
0x73: {  	_ =	shalt  }
0x74: {  	_ =	shalt  }
0x75: {  	_ =	shalt  }
0x76: {  	_ =	shalt  }
0x77: {  	_ =	shalt  }
0x78: {  	_ =	shalt  }
0x79: {  	_ =	shalt  }
0x7a: {  	_ =	shalt  }
0x7b: {  	_ =	shalt  }
0x7c: {  	_ =	shalt  }
0x7d: {  	_ =	shalt  }
0x7e: {  	_ =	shalt  }
0x7f: {  	_ =	shalt  }
0x80: {  	_ =	shalt  }
0x81: {  	_ =	shalt  }
0x82: {  	_ =	shalt  }
0x83: {  	_ =	shalt  }
0x84: {  	_ =	shalt  }
0x85: {  	_ =	shalt  }
0x86: {  	_ =	shalt  }
0x87: {  	_ =	shalt  }
.Lfunc_end0:
.L_simem_size_0:
called_computation_lowered:
.L_overlay_start_0:
0x88: {  	s2 =	sld [smem:$0x3FD9]  }
0x89: {  	s3 =	sld [smem:$0x3FFE];
	_ =	sdelay $0x1  }
0x8a: {  	s1 =	srdreg.scid  }
0x8b: {  	s0 =	sand.u32 $0x1, s1  }
0x8c: {  	s14 =	sshll.u32 s0, $0xA;
	s2 =	sadd.s32 s3, s2  }
0x8d: {  	s2 =	sadd.s32 s2, s14  }
0x8e: {  	[smem:$0x3FC3] =	sst s2  }
0x8f: {  	_ = 	snop  }
0x90: {  	s2 =	sld [smem:$0x3FD0];
	_ =	sdelay $0x2  }
0x91: {  	s15 =	simm.s32 $0xA;
	s4 =	simm.s32 $0x10  }
0x92: {  	[smem:s4], [sflag:s15] =	dma.local [hbm:s2], $0x1  }
0x93: {  	_ =	swait.eq [sflag:s15], $0x1  }
0x94: {  	[sflag:s15] =	ssyncset.done $0x0  }
0x95: {  	[sflag:s15] =	ssyncadd.s32 $0xFFFFFFFF  }
0x96: {  	s16 =	sld [smem:$0x10];
	(tm) =	ssettm $0x1  }
0x97: {  	s17 =	sld [smem:$0x3FFB];
	_ =	sdelay $0x3  }
0x98: {  	_ =	strace s17  }
0x99: {  	s3 =	sld [smem:$0x3FFC];
	_ =	sdelay $0x3  }
0x9a: {  	_ =	strace s3  }
0x9b: {  	s3 =	sld [smem:$0x3FFD];
	_ =	sdelay $0x3  }
0x9c: {  	_ =	strace s3  }
0x9d: {  	_ =	strace $0x8FFFFFFF  }
0x9e: {  	s18 =	sld [smem:$0x3FDB];
	_ =	sdelay $0x1  }
0x9f: {  	s19 =	simm.s32 $_scs_section_size  }
0xa0: {  	s5 =	simm.s32 $_size__tile_overlayer_lowered;
	s6 =	simm.s32 $_tile_overlayer_lowered  }
0xa1: {  	s22 =	simm.s32 $0x1BFF;
	s21 =	sshll.u32 s6, $0x1;
	s3 =	sadd.s32 s19, s18  }
0xa2: {  	s7 =	simm.s32 $0x0;
	s20 =	sshll.u32 s5, $0x1;
	s5 =	sadd.s32 s21, s3  }
0xa3: {  	[timem:s7], [sflag:s22] =	dma.local [hbm:s5], s20  }
0xa4: {  	_ =	swait.ge [sflag:s22], s20  }
0xa5: {  	s4 =	ssub.s32 $0x0, s20;
	[sflag:s22] =	ssyncset.done $0x0  }
0xa6: {  	[sflag:s22] =	ssyncadd.s32 s4;
	_ =	sdelay $0x1  }
0xa7: {  	s23 =	simm.s32 $0x1B8B  }
0xa8: {  	_ =	swait.ge [sflag:s23], $0x1  }
0xa9: {  	[sflag:s23] =	ssyncset.done $0x0  }
0xaa: {  	s25 =	simm.s32 $0x1B8E;
	s24 =	sld [smem:$0x3FFE];
	[sflag:s23] =	ssyncadd.s32 $0xFFFFFFFF  }
0xab: {  	s26 =	simm.s32 $execute0_lowered;
	[smem:$0x3FD2] =	sst s25  }
0xac: {  	s5 =	sshll.u32 s26, $0x1;
	_ =	strace $0x80000046;
	[dreg:$0x1] =	wrdreg $0xFFFFFFFF  }
0xad: {  	s28 =	simm.s32 $_size_execute0_lowered;
	s3 =	sadd.s32 s3, s5;
	[dreg:$0x0] =	wrdreg $0x0  }
0xae: {  	s5 =	sshll.u32 s28, $0x1;
	[dreg:$0x2] =	wrdreg s3  }
0xaf: {  	[dreg:$0x3] =	wrdreg s5  }
0xb0: {  	[dreg:$0x4] =	wrdreg $0xC0  }
0xb1: {  	_ =	task [dreg:s7], $0x5FFFF  }
0xb2: {  	[dreg:$0x1] =	wrdreg $0xFFFFFFFF  }
0xb3: {  	[dreg:$0x0] =	wrdreg $0x60  }
0xb4: {  	[dreg:$0x2] =	wrdreg s16  }
0xb5: {  	[dreg:$0x3] =	wrdreg s24  }
0xb6: {  	[dreg:$0x4] =	wrdreg $0x9  }
0xb7: {  	_ =	task.clear_ibuf [dreg:s7], $0x5FFFF;
	_ =	strace $0x90000046  }
0xb8: {  	s29 =	simm.s32 $0x9;
	_ =	strace $0x80000048  }
0xb9: {  	_ =	swait.ge [sflag:s29], $0x1  }
0xba: {  	[sflag:s29] =	ssyncadd.s32 $0xFFFFFFFF  }
0xbb: {  	_ =	strace $0x90000048  }
0xbc: {  	_ =	sfence  }
0xbd: {  	s30 =	sld [smem:$0x0];
	_ =	sdelay $0x2  }
0xbe: {  	s31 =	sshll.u32 s1, $0xD;
	s1 =	sshrl.u32 s1, $0x2  }
0xbf: {  	s3 =	sand.u32 $0x4000, s31;
	s1 =	sadd.s32 s1, s30  }
0xc0: {  	s0 =	sor.u32 s3, s0;
	s1 =	sshll.u32 s1, $0x11  }
0xc1: {  	s0 =	sor.u32 s1, s0  }
0xc2: {  	s0 =	sadd.s32 $0x8F2B, s0  }
0xc3: {  	[sflag:s0] =	ssyncadd.remote.s32 $0x1  }
0xc4: {  	_ =	sfence.sel $0xFFFF  }
0xc5: {  	[dreg:$0x0] =	wrdreg $0xFFFFFFFF;
	(pc) =	sbr.abs _section_cstart, $3  }
0xc6: {  	[dreg:$0x1] =	wrdreg $0xFFFFFFFF  }
0xc7: {  	_ =	task.clear_ibuf [dreg:s7], $0x2FFFF;
	_ =	strace $0x9FFFFFFF  }
0xc8: {  	(tm) =	ssettm $0x7FFFFFFF  }
0xc9: {  	_ =	shalt  }
tec
execute0_lowered:
.L_overlay_start_1:
0x0: {  	(tag) =	ssettag $0x1  }
0x1: {  	s0 =	srdreg.scid  }
0x2: {  	s3 =	sand.u32 $0x1, s0;
	s0 =	stileid.u32  }
0x3: {  	s4 =	sshll.u32 s0, $0x1;
	s6 =	ssub.s32 $0x0, s3  }
0x4: {  	p0 =	sne.s32 s4, s6  }
.Ltmp0:
0x5: {  	_ = 	snop;
	(pc) =	sbr.rel @p0 .LBB2_7-.Ltmp0, $4  }
0x6: {  	_ = 	snop  }
0x7: {  	s2 =	rddreg [dreg:$0x0]  }
0x8: {  	s5 =	rddreg [dreg:$0x1]  }
0x9: {  	s1 =	rddreg [dreg:$0x2];
	_ =	strace $0x80000047  }
0xa: {  	s4 =	ssub.s32 $0x2, s3  }
0xb: {  	s3 =	sadd.s32 $0x20000, s5;
	s7 =	simm.s32 $0x0;
	s8 =	simm.s32 $0x1  }
0xc: {  	s9 =	simm.s32 $0x1000;
	s10 =	simm.s32 $0x2000;
	s6 =	sshrl.u32 s4, $0x1  }
0xd: {  	s11 =	simm.s32 $0x3800;
	s12 =	simm.s32 $0x0;
	s6 =	ssub.s32 s4, s6  }
0xe: {  	v0 =	vimm.s32 $0x0;
	v1 =	vimm.f32 $0.0e+00;
	v2 =	vlaneseq.u32;
	s4 =	sadd.s32 $0x20200, s5;
	s5 =	sadd.s32 $0x20600, s5;
	s6 =	smax.u32 s6, $0x1  }
.LBB2_2:
0xf: {  	[tilespmem:s7], [sflag:$0x1] =	stream.linear.gather [hbm4b:s2+s7], $0x1000, $0x38;
	[tilespmem:$0x5000] =	vst v63  }
0x10: {  	_ =	swait.ge [sflag:s8], $0x1000  }
0x11: {  	[sflag:s8] =	ssyncset.done $0x0  }
0x12: {  	[sflag:s8] =	ssyncadd.s32 $0xFFFFF000  }
0x13: {  	[tilespmem:s9], [sflag:$0x1] =	stream.linear.gather [hbm4b:s3+s7], $0x1000, $0x38;
	[tilespmem:$0x5000] =	vst v63  }
0x14: {  	_ =	swait.ge [sflag:s8], $0x1000  }
0x15: {  	[sflag:s8] =	ssyncset.done $0x0  }
0x16: {  	s13 =	simm.s32 $0x0;
	[sflag:s8] =	ssyncadd.s32 $0xFFFFF000  }
.LBB2_3:
0x17: {  	p0 =	sne.s32 s13, $0x5FC0  }
.Ltmp1:
0x18: {  	_ = 	snop;
	(pc) =	sbr.rel @p0 .LBB2_3-.Ltmp1, $4  }
0x19: {  	_ = 	snop  }
0x1a: {  	s14 =	sshra.s32 s13, $0x2  }
0x1b: {  	[tilespmem:s14+$0x2000] =	vst v0  }
0x1c: {  	s13 =	sadd.s32 $0x40, s13;
	[tilespmem:s14+$0x3800] =	vst v1  }
0x1d: {  	s14 =	simm.s32 $0x0  }
0x1e: {  	v3 =	vld [tilespmem:s14+$0x0];
	_ =	sdelay $0x2  }
0x1f: {  	s13 =	simm.s32 $0x1000  }
0x20: {  	v4 =	vld [tilespmem:s13+$0x0];
	_ =	sdelay $0x1  }
0x21: {  	s14 =	sand.u32 $0x7F0, s14  }
0x22: {  	v5 =	vor.u32 s14, v2  }
0x23: {  	[tilespmem:v3+s10+$0x0] =	vst.idx.msk $0xffff, v5  }
0x24: {  	s14 =	simm.s32 $0x10;
	[tilespmem:v3+s11+$0x0] =	vst.idx.msk $0xffff, v4  }
0x25: {  	v3 =	vld [tilespmem:s14+$0x0]  }
0x26: {  	s15 =	simm.s32 $0x20;
	s16 =	simm.s32 $0x10  }
.LBB2_5:
0x27: {  	p0 =	sne.s32 s15, $0xFF0  }
0x28: {  	s13 =	sadd.s32 $0x10, s13  }
0x29: {  	v4 =	vld [tilespmem:s13+$0x0];
	_ =	sdelay $0x1  }
0x2a: {  	s17 =	sand.u32 $0x7F0, s14;
	s14 =	smov.u32 s15  }
.Ltmp2:
0x2b: {  	v5 =	vor.u32 s17, v2;
	(pc) =	sbr.rel @p0 .LBB2_5-.Ltmp2, $4  }
0x2c: {  	[tilespmem:v3+s10+$0x0] =	vst.idx.msk $0xffff, v5  }
0x2d: {  	s16 =	sadd.s32 $0x10, s16;
	[tilespmem:v3+s11+$0x0] =	vst.idx.msk $0xffff, v4  }
0x2e: {  	v3 =	vld [tilespmem:s16+$0x0]  }
0x2f: {  	s15 =	sadd.s32 $0x10, s15  }
0x30: {  	_ =	sdelay $0x1  }
0x31: {  	s13 =	sadd.s32 $0x10, s13  }
0x32: {  	v4 =	vld [tilespmem:s13+$0x0];
	_ =	sdelay $0x1  }
0x33: {  	s31 =	sand.u32 $0x7F0, s14  }
0x34: {  	v5 =	vor.u32 s31, v2  }
0x35: {  	[tilespmem:v3+s10+$0x0] =	vst.idx.msk $0xffff, v5  }
0x36: {  	[tilespmem:v3+s11+$0x0] =	vst.idx.msk $0xffff, v4  }
0x37: {  	[hbm4b:s4+s7] =	stream.linear.scatter [tilespmem:s10], [sflag:$0x1], $0x1800, $0x38;
	[tilespmem:$0x5000] =	vst v63  }
0x38: {  	s12 =	sadd.s32 $0x1, s12;
	_ =	swait.ge [sflag:s8], $0x1800  }
0x39: {  	p0 =	sne.s32 s12, s6;
	[sflag:s8] =	ssyncset.done $0x0  }
.Ltmp3:
0x3a: {  	[sflag:s8] =	ssyncadd.s32 $0xFFFFE800;
	(pc) =	sbr.rel @p0 .LBB2_2-.Ltmp3, $4  }
0x3b: {  	[hbm4b:s5+s7] =	stream.linear.scatter [tilespmem:s11], [sflag:$0x1], $0x1800, $0x38;
	[tilespmem:$0x5000] =	vst v63  }
0x3c: {  	_ =	swait.ge [sflag:s8], $0x1800  }
0x3d: {  	[sflag:s8] =	ssyncset.done $0x0  }
0x3e: {  	[sflag:s8] =	ssyncadd.s32 $0xFFFFE800  }
.LBB2_7:
0x3f: {  	_ =	sfence.sel $0x180000  }
0x40: {  	[bflag:$0x0] =	sbarrier.arrive $0xFFFF  }
0x41: {  	p0 =	sne.s32 s0, $0x0;
	_ =	strace $0x90000047  }
0x42: {  	s0 =	sadd.s32 @!p0 $0x100000, s1;
	[bflag:$0x2] =	sbarrier.arrive $0xFFFF  }
0x43: {  	[sflag:s0] =	ssyncadd.tile.s32 @!p0 $0x1;
	_ =	shalt  }
.Lfunc_end2:
_tile_overlayer_lowered:
.L_overlay_start_2:
0x44: {  	(tag) =	ssettag $0x2  }
0x45: {  	s0 =	rddreg [dreg:$0x0];
	s2 =	stileid.u32  }
0x46: {  	s1 =	rddreg [dreg:$0x1];
	p0 =	sne.s32 s2, $0x0  }
0x47: {  	s3 =	rddreg [dreg:$0x2];
	[bflag:$0x3] =	sbarrier.arrive $0xFFFF;
	s2 =	simm.s32 @!p0 $0x1C01  }
0x48: {  	[timem:s3], [sflag:s2] =	dma.local @!p0 [hbm:s0], s1  }
0x49: {  	s0 =	simm.s32 @!p0 $0x1  }
0x4a: {  	_ =	swait.ge @!p0 [sflag:s0], s1  }
0x4b: {  	s1 =	ssub.s32 @!p0 $0x0, s1;
	[sflag:s0] =	ssyncset.done @!p0 $0x0  }
0x4c: {  	[sflag:s0] =	ssyncadd.s32 @!p0 s1  }
0x4d: {  	[bflag:$0x3] =	sbarrier.arrive $0xFFFF  }
0x4e: {  	_ =	shalt  }

</sc_bundles>
